<compile_context>
chip_gen: v7x
topology: tpu7x:2x2x1
jax: 0.10.2.dev20260603
libtpu: 0.0.44.dev20260713+nightly
codegen_flags: <defaults>
</compile_context>

<pallas_src>
import dataclasses
import functools

import jax
import jax.numpy as jnp
from jax import lax
from jax.experimental import pallas as pl
from jax.experimental.pallas import tpu as pltpu
from jax.experimental.pallas import tpu_sc as plsc

_N = 4096
_NEAR = 10
_FAR = 5
_K = 16
_LOW, _HIGH = 0.0, 20.0
_BLK = 256

_NC = 2
_NS = 16
_L = 16


def _rne_bf16(x):
    u = lax.bitcast_convert_type(x, jnp.uint32)
    r = (u + jnp.uint32(0x7FFF) + ((u >> 16) & jnp.uint32(1)))
    return lax.bitcast_convert_type(r & jnp.uint32(0xFFFF0000), jnp.float32)


def _tc_body(rows_ref, cols_ref, conn_ref):
    xi = rows_ref[:, 0:1]
    yi = rows_ref[:, 1:2]
    zi = rows_ref[:, 2:3]
    sqi = rows_ref[:, 3:4]
    xs = cols_ref[0:1, :]
    ys = cols_ref[1:2, :]
    zs = cols_ref[2:3, :]
    sqs = cols_ref[3:4, :]

    dot = xi * xs + yi * ys + zi * zs
    d2 = (sqi + sqs) - 2.0 * dot
    dist = jnp.sqrt(jnp.maximum(d2, 1e-12))

    iota = lax.broadcasted_iota(jnp.int32, (_BLK, _N), 1)
    inf = jnp.float32(jnp.inf)

    work = dist
    for k in range(_NEAR):
        m = jnp.min(work, axis=1, keepdims=True)
        idx = jnp.min(jnp.where(work == m, iota, _N), axis=1, keepdims=True)
        work = jnp.where(iota == idx, inf, work)
        conn_ref[:, k:k + 1] = idx
    db = lax.bitcast_convert_type(dist, jnp.int32) & jnp.int32(~0xFFF)
    work = db | (jnp.int32(0xFFF) - iota)
    for k in range(_FAR):
        m = jnp.max(work, axis=1, keepdims=True)
        work = jnp.where(work == m, jnp.int32(0), work)
        conn_ref[:, _NEAR + k:_NEAR + k + 1] = (
            jnp.int32(0xFFF) - (m & jnp.int32(0xFFF)))
    conn_ref[:, 15:16] = jnp.zeros((_BLK, 1), jnp.int32)


def _select_conn(rows, cols, interpret=False):
    nrows = rows.shape[0]
    return pl.pallas_call(
        _tc_body,
        grid=(nrows // _BLK,),
        in_specs=[
            pl.BlockSpec((_BLK, 8), lambda i: (i, 0)),
            pl.BlockSpec((8, _N), lambda i: (0, 0)),
        ],
        out_specs=pl.BlockSpec((_BLK, 16), lambda i: (i, 0)),
        out_shape=jax.ShapeDtypeStruct((nrows, 16), jnp.int32),
        interpret=interpret,
    )(rows, cols)


def _newton_sqrt(s):
    u = plsc.bitcast(s, jnp.uint32)
    y = plsc.bitcast((u >> 1) + jnp.uint32(0x1FBD1DF5), jnp.float32)
    for _ in range(4):
        y = 0.5 * (y + s / y)
    return y


def _sc_featurize(px, py, pz, conn, row0, nrows):
    gamma = (_HIGH - _LOW) / (_K - 1)
    inv = jnp.float32(1.0 / (2.0 * gamma * gamma))

    cp = pltpu.CompilerParams()
    if "needs_layout_passes" in pltpu.CompilerParams.__dataclass_fields__:
        cp = dataclasses.replace(cp, needs_layout_passes=False)

    rpt = nrows // (_NC * _NS)
    out_per_tile = rpt * _K * _L

    @functools.partial(
        pl.kernel,
        out_type=jax.ShapeDtypeStruct((nrows * _K * _L,), jnp.float32),
        mesh=plsc.VectorSubcoreMesh(core_axis_name="c", subcore_axis_name="s"),
        compiler_params=cp,
        scratch_types=[
            pltpu.VMEM((_N,), jnp.float32),
            pltpu.VMEM((_N,), jnp.float32),
            pltpu.VMEM((_N,), jnp.float32),
            pltpu.VMEM((rpt * 16,), jnp.int32),
            pltpu.VMEM((out_per_tile,), jnp.float32),
        ],
    )
    def sc_kernel(px_hbm, py_hbm, pz_hbm, conn_hbm, out_hbm,
                  px_v, py_v, pz_v, conn_v, out_v):
        wid = lax.axis_index("s") * _NC + lax.axis_index("c")
        base = wid * rpt
        pltpu.sync_copy(px_hbm, px_v)
        pltpu.sync_copy(py_hbm, py_v)
        pltpu.sync_copy(pz_hbm, pz_v)
        pltpu.sync_copy(conn_hbm.at[pl.ds(base * 16, rpt * 16)],
                        conn_v)

        @pl.loop(0, rpt)
        def _(r):
            gidx = row0 + base + r
            self_idx = jnp.full((_L,), gidx, jnp.int32)
            cj = conn_v[pl.ds(r * 16, _L)]
            xj = plsc.load_gather(px_v, [cj])
            yj = plsc.load_gather(py_v, [cj])
            zj = plsc.load_gather(pz_v, [cj])
            xi = plsc.load_gather(px_v, [self_idx])
            yi = plsc.load_gather(py_v, [self_idx])
            zi = plsc.load_gather(pz_v, [self_idx])
            dx = (xi - xj) + 1e-6
            dy = (yi - yj) + 1e-6
            dz = (zi - zj) + 1e-6
            s = dx * dx + dy * dy + dz * dz
            d = _newton_sqrt(s)
            for k in range(_K):
                diff = d - jnp.float32(k * gamma)
                out_v[pl.ds((r * _K + k) * _L, _L)] = (
                    jnp.exp(-(diff * diff) * inv))

        pltpu.sync_copy(out_v, out_hbm.at[pl.ds(base * _K * _L,
                                                out_per_tile)])

    return sc_kernel(px, py, pz, conn.reshape(-1))


@jax.jit
def _run(pos):
    sq = jnp.sum(pos * pos, axis=-1, keepdims=True)
    pb = _rne_bf16(pos)
    rows = jnp.concatenate(
        [pb, sq, jnp.zeros((_N, 4), jnp.float32)], axis=1)
    cols = rows.T
    conn = _select_conn(rows, cols)
    out = _sc_featurize(pos[:, 0], pos[:, 1], pos[:, 2], conn, 0, _N)
    return out.reshape(_N, _K, _L).transpose(0, 2, 1)[:, :_NEAR + _FAR, :]


def kernel(tertiary, subgraph_indices):
    pos = tertiary[:, 1]
    return _run(pos)

# --- scband reference (transcript-rebuilt; emitter-appended) ---
"""Pipeline reference for scband-structured-score-2997887172835 (READ-ONLY COPY).

The authoritative reference and input builder live on the scoring server;
editing this copy changes nothing except your own understanding.
"""

import jax, jax.numpy as jnp
import numpy as np

N = 4096
NEIGHBOURS = 15
RBF_LOW, RBF_HIGH, RBF_KERNELS = 0.0, 20.0, 16


def gaussian_rbf(d, low, high, kernels):
    mu = jnp.linspace(low, high, kernels)
    gamma = (high - low) / (kernels - 1)
    return jnp.exp(-((d - mu) ** 2) / (2.0 * gamma ** 2))


def setup_inputs(seed: int = 0) -> dict:
    key = jax.random.key(seed)
    tertiary = jax.random.normal(key, (N, 14, 3), dtype=jnp.float32) * 10.0
    subgraph_indices = jnp.zeros((N,), dtype=jnp.int32)
    return {"tertiary": tertiary, "subgraph_indices": subgraph_indices}


def reference(tertiary, subgraph_indices):
    # knn_structure core of StructuredScore: single subgraph (all indices == 0)
    pos = tertiary[:, 1]  # [N, 3] C-alpha positions
    sq = jnp.sum(pos * pos, axis=-1)
    d2 = sq[:, None] + sq[None, :] - 2.0 * (pos @ pos.T)
    dist_mat = jnp.sqrt(jnp.maximum(d2, 1e-12))
    closeness = -dist_mat
    # farthest 5 neighbours: topk of (-closeness)
    far_vals, far_idx = jax.lax.top_k(-closeness, 5)
    # nearest (neighbours - 5) neighbours: topk of closeness
    near_vals, near_idx = jax.lax.top_k(closeness, NEIGHBOURS - 5)
    conn = jnp.concatenate((near_idx, far_idx), axis=1)  # [N, 15]
    all_values = near_vals  # [N, 10]
    # relative positions of selected neighbours + distance RBF featurization
    neighbour_pos = pos[:, None, :] - pos[conn] + 1e-06  # [N, 15, 3]
    dist = jnp.linalg.norm(neighbour_pos, axis=2, keepdims=True)  # [N, 15, 1]
    rbf = gaussian_rbf(dist, RBF_LOW, RBF_HIGH, RBF_KERNELS)  # [N, 15, 16]
    return rbf

if __name__ == "__main__":
    import jax
    _d = setup_inputs()
    print(jax.jit(kernel)(*tuple(_d.values())))

</pallas_src>

<mosaic_0001>
#map = affine_map<(d0, d1) -> (0)>
module attributes {stable_mosaic.version = 14 : i64} {
  func.func @_rewritten_body(%arg0: i32, %arg1: i32, %arg2: memref<4096xf32, #tpu.memory_space<hbm>>, %arg3: memref<4096xf32, #tpu.memory_space<hbm>>, %arg4: memref<4096xf32, #tpu.memory_space<hbm>>, %arg5: memref<65536xi32, #tpu.memory_space<hbm>>, %arg6: memref<1xf32, #tpu.memory_space<hbm>>, %arg7: memref<1048576xf32, #tpu.memory_space<hbm>>, %arg8: memref<4096xf32, #tpu.memory_space<vmem>>, %arg9: memref<4096xf32, #tpu.memory_space<vmem>>, %arg10: memref<4096xf32, #tpu.memory_space<vmem>>, %arg11: memref<2048xi32, #tpu.memory_space<vmem>>, %arg12: memref<32768xf32, #tpu.memory_space<vmem>>) attributes {dimension_semantics = [#tpu.dimension_semantics<core_parallel>, #tpu.dimension_semantics<subcore_parallel>], iteration_bounds = array<i64: 2, 16>, scalar_prefetch = 0 : i64, scratch_operands = 5 : i64, tpu.core_type = #tpu.core_type<sc_vector_subcore>, window_params = [{transform_indices = #map}, {transform_indices = #map}, {transform_indices = #map}, {transform_indices = #map}, {transform_indices = #map}, {transform_indices = #map}]} {
    %empty_ref3A = memref.alloca() : memref<16xf32, #tpu.memory_space<vmem>>
    "tpu.region"() ({
      %run_scoped3A = tpu.sem_alloc : memref<!tpu.dma_semaphore, #tpu.memory_space<semaphore_mem>>
      %dma_start3A = arith.constant 0 : i32
      %dma_start3A_14 = tpu.memref_slice %empty_ref3A[%dma_start3A] : memref<16xf32, #tpu.memory_space<vmem>> -> memref<1xf32, #tpu.memory_space<vmem>>
      %dma_start3A_15 = arith.constant 0 : i32
      %dma_start3A_16 = tpu.memref_slice %empty_ref3A[%dma_start3A_15] : memref<16xf32, #tpu.memory_space<vmem>> -> memref<1xf32, #tpu.memory_space<vmem>>
      tpu.enqueue_dma source(%arg6 : memref<1xf32, #tpu.memory_space<hbm>>) target(%dma_start3A_16 : memref<1xf32, #tpu.memory_space<vmem>>) target_semaphore(%run_scoped3A : memref<!tpu.dma_semaphore, #tpu.memory_space<semaphore_mem>>)
      %dma_wait3A = arith.constant 0 : i32
      %dma_wait3A_17 = tpu.memref_slice %empty_ref3A[%dma_wait3A] : memref<16xf32, #tpu.memory_space<vmem>> -> memref<1xf32, #tpu.memory_space<vmem>>
      %dma_wait3A_18 = arith.constant 0 : i32
      %dma_wait3A_19 = tpu.memref_slice %empty_ref3A[%dma_wait3A_18] : memref<16xf32, #tpu.memory_space<vmem>> -> memref<1xf32, #tpu.memory_space<vmem>>
      tpu.wait_dma2 semaphore(%run_scoped3A : memref<!tpu.dma_semaphore, #tpu.memory_space<semaphore_mem>>) src(%arg6 : memref<1xf32, #tpu.memory_space<hbm>>) dst(%dma_wait3A_19 : memref<1xf32, #tpu.memory_space<vmem>>)
      tpu.yield
    }) : () -> ()
    %get3A = arith.constant 0 : index
    %get3A_0 = tpu.vector_load %empty_ref3A[%get3A] {strides = array<i32>} : memref<16xf32, #tpu.memory_space<vmem>>, vector<16xf32>,
    %slice3A = vector.extract_strided_slice %get3A_0 {offsets = [0], sizes = [1], strides = [1]} : vector<16xf32> to vector<1xf32>
    %squeeze3A = vector.extract %slice3A[0] : f32 from vector<1xf32>
    %mul3A = arith.constant 2 : i32
    %mul3A_1 = arith.muli %arg1, %mul3A : i32
    %add3A = arith.addi %mul3A_1, %arg0 : i32
    %mul3A_2 = arith.constant 128 : i32
    %mul3A_3 = arith.muli %add3A, %mul3A_2 : i32
    "tpu.region"() ({
      %run_scoped3A = tpu.sem_alloc : memref<!tpu.dma_semaphore, #tpu.memory_space<semaphore_mem>>
      tpu.enqueue_dma source(%arg2 : memref<4096xf32, #tpu.memory_space<hbm>>) target(%arg8 : memref<4096xf32, #tpu.memory_space<vmem>>) target_semaphore(%run_scoped3A : memref<!tpu.dma_semaphore, #tpu.memory_space<semaphore_mem>>)
      tpu.wait_dma2 semaphore(%run_scoped3A : memref<!tpu.dma_semaphore, #tpu.memory_space<semaphore_mem>>) src(%arg2 : memref<4096xf32, #tpu.memory_space<hbm>>) dst(%arg8 : memref<4096xf32, #tpu.memory_space<vmem>>)
      tpu.yield
    }) : () -> ()
    "tpu.region"() ({
      %run_scoped3A = tpu.sem_alloc : memref<!tpu.dma_semaphore, #tpu.memory_space<semaphore_mem>>
      tpu.enqueue_dma source(%arg3 : memref<4096xf32, #tpu.memory_space<hbm>>) target(%arg9 : memref<4096xf32, #tpu.memory_space<vmem>>) target_semaphore(%run_scoped3A : memref<!tpu.dma_semaphore, #tpu.memory_space<semaphore_mem>>)
      tpu.wait_dma2 semaphore(%run_scoped3A : memref<!tpu.dma_semaphore, #tpu.memory_space<semaphore_mem>>) src(%arg3 : memref<4096xf32, #tpu.memory_space<hbm>>) dst(%arg9 : memref<4096xf32, #tpu.memory_space<vmem>>)
      tpu.yield
    }) : () -> ()
    "tpu.region"() ({
      %run_scoped3A = tpu.sem_alloc : memref<!tpu.dma_semaphore, #tpu.memory_space<semaphore_mem>>
      tpu.enqueue_dma source(%arg4 : memref<4096xf32, #tpu.memory_space<hbm>>) target(%arg10 : memref<4096xf32, #tpu.memory_space<vmem>>) target_semaphore(%run_scoped3A : memref<!tpu.dma_semaphore, #tpu.memory_space<semaphore_mem>>)
      tpu.wait_dma2 semaphore(%run_scoped3A : memref<!tpu.dma_semaphore, #tpu.memory_space<semaphore_mem>>) src(%arg4 : memref<4096xf32, #tpu.memory_space<hbm>>) dst(%arg10 : memref<4096xf32, #tpu.memory_space<vmem>>)
      tpu.yield
    }) : () -> ()
    %mul3A_4 = arith.constant 16 : i32
    %mul3A_5 = arith.muli %mul3A_3, %mul3A_4 : i32
    "tpu.region"() ({
      %run_scoped3A = tpu.sem_alloc : memref<!tpu.dma_semaphore, #tpu.memory_space<semaphore_mem>>
      %dma_start3A = tpu.memref_slice %arg5[%mul3A_5] : memref<65536xi32, #tpu.memory_space<hbm>> -> memref<2048xi32, #tpu.memory_space<hbm>>
      %dma_start3A_14 = tpu.memref_slice %arg5[%mul3A_5] : memref<65536xi32, #tpu.memory_space<hbm>> -> memref<2048xi32, #tpu.memory_space<hbm>>
      tpu.enqueue_dma source(%dma_start3A_14 : memref<2048xi32, #tpu.memory_space<hbm>>) target(%arg11 : memref<2048xi32, #tpu.memory_space<vmem>>) target_semaphore(%run_scoped3A : memref<!tpu.dma_semaphore, #tpu.memory_space<semaphore_mem>>)
      %dma_wait3A = tpu.memref_slice %arg5[%mul3A_5] : memref<65536xi32, #tpu.memory_space<hbm>> -> memref<2048xi32, #tpu.memory_space<hbm>>
      %dma_wait3A_15 = tpu.memref_slice %arg5[%mul3A_5] : memref<65536xi32, #tpu.memory_space<hbm>> -> memref<2048xi32, #tpu.memory_space<hbm>>
      tpu.wait_dma2 semaphore(%run_scoped3A : memref<!tpu.dma_semaphore, #tpu.memory_space<semaphore_mem>>) src(%dma_wait3A_15 : memref<2048xi32, #tpu.memory_space<hbm>>) dst(%arg11 : memref<2048xi32, #tpu.memory_space<vmem>>)
      tpu.yield
    }) : () -> ()
    %scan3A = arith.constant 0 : i32
    %scan3A_6 = arith.constant 128 : i32
    %scan3A_7 = arith.addi %scan3A, %scan3A_6 : i32
    %scan3A_8 = arith.constant 1 : i32
    scf.for %scan3A_14 = %scan3A to %scan3A_7 step %scan3A_8  : i32 {
      %mul3A_15 = arith.constant 1 : i32
      %mul3A_16 = arith.muli %scan3A_14, %mul3A_15 : i32
      %add3A_17 = arith.constant 0 : i32
      %add3A_18 = arith.addi %add3A_17, %mul3A_16 : i32
      %add3A_19 = arith.constant 0 : i32
      %add3A_20 = arith.addi %add3A_19, %mul3A_3 : i32
      %add3A_21 = arith.addi %add3A_20, %add3A_18 : i32
      %broadcast_in_dim3A = vector.broadcast %add3A_21 : i32 to vector<16xi32>
      %mul3A_22 = arith.constant 16 : i32
      %mul3A_23 = arith.muli %add3A_18, %mul3A_22 : i32
      %get3A_24 = arith.index_cast %mul3A_23 : i32 to index
      %get3A_25 = tpu.vector_load %arg11[%get3A_24] {strides = array<i32>} : memref<2048xi32, #tpu.memory_space<vmem>>, vector<16xi32>,
      %gather3A = tpu.vector_load_idx %arg8[%get3A_25] : memref<4096xf32, #tpu.memory_space<vmem>>[vector<16xi32>], vector<16xf32>,
      %gather3A_26 = tpu.vector_load_idx %arg9[%get3A_25] : memref<4096xf32, #tpu.memory_space<vmem>>[vector<16xi32>], vector<16xf32>,
      %gather3A_27 = tpu.vector_load_idx %arg10[%get3A_25] : memref<4096xf32, #tpu.memory_space<vmem>>[vector<16xi32>], vector<16xf32>,
      %gather3A_28 = tpu.vector_load_idx %arg8[%broadcast_in_dim3A] : memref<4096xf32, #tpu.memory_space<vmem>>[vector<16xi32>], vector<16xf32>,
      %gather3A_29 = tpu.vector_load_idx %arg9[%broadcast_in_dim3A] : memref<4096xf32, #tpu.memory_space<vmem>>[vector<16xi32>], vector<16xf32>,
      %gather3A_30 = tpu.vector_load_idx %arg10[%broadcast_in_dim3A] : memref<4096xf32, #tpu.memory_space<vmem>>[vector<16xi32>], vector<16xf32>,
      %sub3A = arith.subf %gather3A_28, %gather3A : vector<16xf32>
      %add3A_31 = arith.constant 9.99999997E-7 : f32
      %add3A_32 = vector.broadcast %add3A_31 : f32 to vector<16xf32>
      %add3A_33 = arith.addf %sub3A, %add3A_32 : vector<16xf32>
      %sub3A_34 = arith.subf %gather3A_29, %gather3A_26 : vector<16xf32>
      %add3A_35 = arith.constant 9.99999997E-7 : f32
      %add3A_36 = vector.broadcast %add3A_35 : f32 to vector<16xf32>
      %add3A_37 = arith.addf %sub3A_34, %add3A_36 : vector<16xf32>
      %sub3A_38 = arith.subf %gather3A_30, %gather3A_27 : vector<16xf32>
      %add3A_39 = arith.constant 9.99999997E-7 : f32
      %add3A_40 = vector.broadcast %add3A_39 : f32 to vector<16xf32>
      %add3A_41 = arith.addf %sub3A_38, %add3A_40 : vector<16xf32>
      %mul3A_42 = arith.mulf %add3A_33, %add3A_33 : vector<16xf32>
      %mul3A_43 = arith.mulf %add3A_37, %add3A_37 : vector<16xf32>
      %add3A_44 = arith.addf %mul3A_42, %mul3A_43 : vector<16xf32>
      %mul3A_45 = arith.mulf %add3A_41, %add3A_41 : vector<16xf32>
      %add3A_46 = arith.addf %add3A_44, %mul3A_45 : vector<16xf32>
      %bitcast3A = vector.bitcast %add3A_46 : vector<16xf32> to vector<16xi32>
      %shift_right_logical3A = arith.constant 1 : i32
      %shift_right_logical3A_47 = vector.broadcast %shift_right_logical3A : i32 to vector<16xi32>
      %shift_right_logical3A_48 = arith.shrui %bitcast3A, %shift_right_logical3A_47 : vector<16xi32>
      %add3A_49 = arith.constant 532487669 : i32
      %add3A_50 = vector.broadcast %add3A_49 : i32 to vector<16xi32>
      %add3A_51 = arith.addi %shift_right_logical3A_48, %add3A_50 : vector<16xi32>
      %bitcast3A_52 = vector.bitcast %add3A_51 : vector<16xi32> to vector<16xf32>
      %div3A = arith.divf %add3A_46, %bitcast3A_52 : vector<16xf32>
      %add3A_53 = arith.addf %bitcast3A_52, %div3A : vector<16xf32>
      %mul3A_54 = arith.constant 5.000000e-01 : f32
      %mul3A_55 = vector.broadcast %mul3A_54 : f32 to vector<16xf32>
      %mul3A_56 = arith.mulf %mul3A_55, %add3A_53 : vector<16xf32>
      %div3A_57 = arith.divf %add3A_46, %mul3A_56 : vector<16xf32>
      %add3A_58 = arith.addf %mul3A_56, %div3A_57 : vector<16xf32>
      %mul3A_59 = arith.constant 5.000000e-01 : f32
      %mul3A_60 = vector.broadcast %mul3A_59 : f32 to vector<16xf32>
      %mul3A_61 = arith.mulf %mul3A_60, %add3A_58 : vector<16xf32>
      %div3A_62 = arith.divf %add3A_46, %mul3A_61 : vector<16xf32>
      %add3A_63 = arith.addf %mul3A_61, %div3A_62 : vector<16xf32>
      %mul3A_64 = arith.constant 5.000000e-01 : f32
      %mul3A_65 = vector.broadcast %mul3A_64 : f32 to vector<16xf32>
      %mul3A_66 = arith.mulf %mul3A_65, %add3A_63 : vector<16xf32>
      %div3A_67 = arith.divf %add3A_46, %mul3A_66 : vector<16xf32>
      %add3A_68 = arith.addf %mul3A_66, %div3A_67 : vector<16xf32>
      %mul3A_69 = arith.constant 5.000000e-01 : f32
      %mul3A_70 = vector.broadcast %mul3A_69 : f32 to vector<16xf32>
      %mul3A_71 = arith.mulf %mul3A_70, %add3A_68 : vector<16xf32>
      %sub3A_72 = arith.constant 0.000000e+00 : f32
      %sub3A_73 = vector.broadcast %sub3A_72 : f32 to vector<16xf32>
      %sub3A_74 = arith.subf %mul3A_71, %sub3A_73 : vector<16xf32>
      %mul3A_75 = arith.mulf %sub3A_74, %sub3A_74 : vector<16xf32>
      %neg3A = arith.constant 0.000000e+00 : f32
      %neg3A_76 = vector.broadcast %neg3A : f32 to vector<16xf32>
      %neg3A_77 = arith.subf %neg3A_76, %mul3A_75 : vector<16xf32>
      %mul3A_78 = vector.broadcast %squeeze3A : f32 to vector<16xf32>
      %mul3A_79 = arith.mulf %neg3A_77, %mul3A_78 : vector<16xf32>
      %exp3A = math.exp %mul3A_79 : vector<16xf32>
      %mul3A_80 = arith.constant 16 : i32
      %mul3A_81 = arith.muli %add3A_18, %mul3A_80 : i32
      %add3A_82 = arith.constant 0 : i32
      %add3A_83 = arith.addi %mul3A_81, %add3A_82 : i32
      %mul3A_84 = arith.constant 16 : i32
      %mul3A_85 = arith.muli %add3A_83, %mul3A_84 : i32
      %swap3A = arith.index_cast %mul3A_85 : i32 to index
      %swap3A_86 = tpu.vector_load %arg12[%swap3A] {strides = array<i32>} : memref<32768xf32, #tpu.memory_space<vmem>>, vector<16xf32>,
      tpu.vector_store %arg12[%swap3A], %exp3A {strides = array<i32>} : memref<32768xf32, #tpu.memory_space<vmem>>, vector<16xf32>,
      %sub3A_87 = arith.constant 1.33333337 : f32
      %sub3A_88 = vector.broadcast %sub3A_87 : f32 to vector<16xf32>
      %sub3A_89 = arith.subf %mul3A_71, %sub3A_88 : vector<16xf32>
      %mul3A_90 = arith.mulf %sub3A_89, %sub3A_89 : vector<16xf32>
      %neg3A_91 = arith.constant 0.000000e+00 : f32
      %neg3A_92 = vector.broadcast %neg3A_91 : f32 to vector<16xf32>
      %neg3A_93 = arith.subf %neg3A_92, %mul3A_90 : vector<16xf32>
      %mul3A_94 = vector.broadcast %squeeze3A : f32 to vector<16xf32>
      %mul3A_95 = arith.mulf %neg3A_93, %mul3A_94 : vector<16xf32>
      %exp3A_96 = math.exp %mul3A_95 : vector<16xf32>
      %mul3A_97 = arith.constant 16 : i32
      %mul3A_98 = arith.muli %add3A_18, %mul3A_97 : i32
      %add3A_99 = arith.constant 1 : i32
      %add3A_100 = arith.addi %mul3A_98, %add3A_99 : i32
      %mul3A_101 = arith.constant 16 : i32
      %mul3A_102 = arith.muli %add3A_100, %mul3A_101 : i32
      %swap3A_103 = arith.index_cast %mul3A_102 : i32 to index
      %swap3A_104 = tpu.vector_load %arg12[%swap3A_103] {strides = array<i32>} : memref<32768xf32, #tpu.memory_space<vmem>>, vector<16xf32>,
      tpu.vector_store %arg12[%swap3A_103], %exp3A_96 {strides = array<i32>} : memref<32768xf32, #tpu.memory_space<vmem>>, vector<16xf32>,
      %sub3A_105 = arith.constant 2.66666675 : f32
      %sub3A_106 = vector.broadcast %sub3A_105 : f32 to vector<16xf32>
      %sub3A_107 = arith.subf %mul3A_71, %sub3A_106 : vector<16xf32>
      %mul3A_108 = arith.mulf %sub3A_107, %sub3A_107 : vector<16xf32>
      %neg3A_109 = arith.constant 0.000000e+00 : f32
      %neg3A_110 = vector.broadcast %neg3A_109 : f32 to vector<16xf32>
      %neg3A_111 = arith.subf %neg3A_110, %mul3A_108 : vector<16xf32>
      %mul3A_112 = vector.broadcast %squeeze3A : f32 to vector<16xf32>
      %mul3A_113 = arith.mulf %neg3A_111, %mul3A_112 : vector<16xf32>
      %exp3A_114 = math.exp %mul3A_113 : vector<16xf32>
      %mul3A_115 = arith.constant 16 : i32
      %mul3A_116 = arith.muli %add3A_18, %mul3A_115 : i32
      %add3A_117 = arith.constant 2 : i32
      %add3A_118 = arith.addi %mul3A_116, %add3A_117 : i32
      %mul3A_119 = arith.constant 16 : i32
      %mul3A_120 = arith.muli %add3A_118, %mul3A_119 : i32
      %swap3A_121 = arith.index_cast %mul3A_120 : i32 to index
      %swap3A_122 = tpu.vector_load %arg12[%swap3A_121] {strides = array<i32>} : memref<32768xf32, #tpu.memory_space<vmem>>, vector<16xf32>,
      tpu.vector_store %arg12[%swap3A_121], %exp3A_114 {strides = array<i32>} : memref<32768xf32, #tpu.memory_space<vmem>>, vector<16xf32>,
      %sub3A_123 = arith.constant 4.000000e+00 : f32
      %sub3A_124 = vector.broadcast %sub3A_123 : f32 to vector<16xf32>
      %sub3A_125 = arith.subf %mul3A_71, %sub3A_124 : vector<16xf32>
      %mul3A_126 = arith.mulf %sub3A_125, %sub3A_125 : vector<16xf32>
      %neg3A_127 = arith.constant 0.000000e+00 : f32
      %neg3A_128 = vector.broadcast %neg3A_127 : f32 to vector<16xf32>
      %neg3A_129 = arith.subf %neg3A_128, %mul3A_126 : vector<16xf32>
      %mul3A_130 = vector.broadcast %squeeze3A : f32 to vector<16xf32>
      %mul3A_131 = arith.mulf %neg3A_129, %mul3A_130 : vector<16xf32>
      %exp3A_132 = math.exp %mul3A_131 : vector<16xf32>
      %mul3A_133 = arith.constant 16 : i32
      %mul3A_134 = arith.muli %add3A_18, %mul3A_133 : i32
      %add3A_135 = arith.constant 3 : i32
      %add3A_136 = arith.addi %mul3A_134, %add3A_135 : i32
      %mul3A_137 = arith.constant 16 : i32
      %mul3A_138 = arith.muli %add3A_136, %mul3A_137 : i32
      %swap3A_139 = arith.index_cast %mul3A_138 : i32 to index
      %swap3A_140 = tpu.vector_load %arg12[%swap3A_139] {strides = array<i32>} : memref<32768xf32, #tpu.memory_space<vmem>>, vector<16xf32>,
      tpu.vector_store %arg12[%swap3A_139], %exp3A_132 {strides = array<i32>} : memref<32768xf32, #tpu.memory_space<vmem>>, vector<16xf32>,
      %sub3A_141 = arith.constant 5.33333349 : f32
      %sub3A_142 = vector.broadcast %sub3A_141 : f32 to vector<16xf32>
      %sub3A_143 = arith.subf %mul3A_71, %sub3A_142 : vector<16xf32>
      %mul3A_144 = arith.mulf %sub3A_143, %sub3A_143 : vector<16xf32>
      %neg3A_145 = arith.constant 0.000000e+00 : f32
      %neg3A_146 = vector.broadcast %neg3A_145 : f32 to vector<16xf32>
      %neg3A_147 = arith.subf %neg3A_146, %mul3A_144 : vector<16xf32>
      %mul3A_148 = vector.broadcast %squeeze3A : f32 to vector<16xf32>
      %mul3A_149 = arith.mulf %neg3A_147, %mul3A_148 : vector<16xf32>
      %exp3A_150 = math.exp %mul3A_149 : vector<16xf32>
      %mul3A_151 = arith.constant 16 : i32
      %mul3A_152 = arith.muli %add3A_18, %mul3A_151 : i32
      %add3A_153 = arith.constant 4 : i32
      %add3A_154 = arith.addi %mul3A_152, %add3A_153 : i32
      %mul3A_155 = arith.constant 16 : i32
      %mul3A_156 = arith.muli %add3A_154, %mul3A_155 : i32
      %swap3A_157 = arith.index_cast %mul3A_156 : i32 to index
      %swap3A_158 = tpu.vector_load %arg12[%swap3A_157] {strides = array<i32>} : memref<32768xf32, #tpu.memory_space<vmem>>, vector<16xf32>,
      tpu.vector_store %arg12[%swap3A_157], %exp3A_150 {strides = array<i32>} : memref<32768xf32, #tpu.memory_space<vmem>>, vector<16xf32>,
      %sub3A_159 = arith.constant 6.66666651 : f32
      %sub3A_160 = vector.broadcast %sub3A_159 : f32 to vector<16xf32>
      %sub3A_161 = arith.subf %mul3A_71, %sub3A_160 : vector<16xf32>
      %mul3A_162 = arith.mulf %sub3A_161, %sub3A_161 : vector<16xf32>
      %neg3A_163 = arith.constant 0.000000e+00 : f32
      %neg3A_164 = vector.broadcast %neg3A_163 : f32 to vector<16xf32>
      %neg3A_165 = arith.subf %neg3A_164, %mul3A_162 : vector<16xf32>
      %mul3A_166 = vector.broadcast %squeeze3A : f32 to vector<16xf32>
      %mul3A_167 = arith.mulf %neg3A_165, %mul3A_166 : vector<16xf32>
      %exp3A_168 = math.exp %mul3A_167 : vector<16xf32>
      %mul3A_169 = arith.constant 16 : i32
      %mul3A_170 = arith.muli %add3A_18, %mul3A_169 : i32
      %add3A_171 = arith.constant 5 : i32
      %add3A_172 = arith.addi %mul3A_170, %add3A_171 : i32
      %mul3A_173 = arith.constant 16 : i32
      %mul3A_174 = arith.muli %add3A_172, %mul3A_173 : i32
      %swap3A_175 = arith.index_cast %mul3A_174 : i32 to index
      %swap3A_176 = tpu.vector_load %arg12[%swap3A_175] {strides = array<i32>} : memref<32768xf32, #tpu.memory_space<vmem>>, vector<16xf32>,
      tpu.vector_store %arg12[%swap3A_175], %exp3A_168 {strides = array<i32>} : memref<32768xf32, #tpu.memory_space<vmem>>, vector<16xf32>,
      %sub3A_177 = arith.constant 8.000000e+00 : f32
      %sub3A_178 = vector.broadcast %sub3A_177 : f32 to vector<16xf32>
      %sub3A_179 = arith.subf %mul3A_71, %sub3A_178 : vector<16xf32>
      %mul3A_180 = arith.mulf %sub3A_179, %sub3A_179 : vector<16xf32>
      %neg3A_181 = arith.constant 0.000000e+00 : f32
      %neg3A_182 = vector.broadcast %neg3A_181 : f32 to vector<16xf32>
      %neg3A_183 = arith.subf %neg3A_182, %mul3A_180 : vector<16xf32>
      %mul3A_184 = vector.broadcast %squeeze3A : f32 to vector<16xf32>
      %mul3A_185 = arith.mulf %neg3A_183, %mul3A_184 : vector<16xf32>
      %exp3A_186 = math.exp %mul3A_185 : vector<16xf32>
      %mul3A_187 = arith.constant 16 : i32
      %mul3A_188 = arith.muli %add3A_18, %mul3A_187 : i32
      %add3A_189 = arith.constant 6 : i32
      %add3A_190 = arith.addi %mul3A_188, %add3A_189 : i32
      %mul3A_191 = arith.constant 16 : i32
      %mul3A_192 = arith.muli %add3A_190, %mul3A_191 : i32
      %swap3A_193 = arith.index_cast %mul3A_192 : i32 to index
      %swap3A_194 = tpu.vector_load %arg12[%swap3A_193] {strides = array<i32>} : memref<32768xf32, #tpu.memory_space<vmem>>, vector<16xf32>,
      tpu.vector_store %arg12[%swap3A_193], %exp3A_186 {strides = array<i32>} : memref<32768xf32, #tpu.memory_space<vmem>>, vector<16xf32>,
      %sub3A_195 = arith.constant 9.33333301 : f32
      %sub3A_196 = vector.broadcast %sub3A_195 : f32 to vector<16xf32>
      %sub3A_197 = arith.subf %mul3A_71, %sub3A_196 : vector<16xf32>
      %mul3A_198 = arith.mulf %sub3A_197, %sub3A_197 : vector<16xf32>
      %neg3A_199 = arith.constant 0.000000e+00 : f32
      %neg3A_200 = vector.broadcast %neg3A_199 : f32 to vector<16xf32>
      %neg3A_201 = arith.subf %neg3A_200, %mul3A_198 : vector<16xf32>
      %mul3A_202 = vector.broadcast %squeeze3A : f32 to vector<16xf32>
      %mul3A_203 = arith.mulf %neg3A_201, %mul3A_202 : vector<16xf32>
      %exp3A_204 = math.exp %mul3A_203 : vector<16xf32>
      %mul3A_205 = arith.constant 16 : i32
      %mul3A_206 = arith.muli %add3A_18, %mul3A_205 : i32
      %add3A_207 = arith.constant 7 : i32
      %add3A_208 = arith.addi %mul3A_206, %add3A_207 : i32
      %mul3A_209 = arith.constant 16 : i32
      %mul3A_210 = arith.muli %add3A_208, %mul3A_209 : i32
      %swap3A_211 = arith.index_cast %mul3A_210 : i32 to index
      %swap3A_212 = tpu.vector_load %arg12[%swap3A_211] {strides = array<i32>} : memref<32768xf32, #tpu.memory_space<vmem>>, vector<16xf32>,
      tpu.vector_store %arg12[%swap3A_211], %exp3A_204 {strides = array<i32>} : memref<32768xf32, #tpu.memory_space<vmem>>, vector<16xf32>,
      %sub3A_213 = arith.constant 10.666667 : f32
      %sub3A_214 = vector.broadcast %sub3A_213 : f32 to vector<16xf32>
      %sub3A_215 = arith.subf %mul3A_71, %sub3A_214 : vector<16xf32>
      %mul3A_216 = arith.mulf %sub3A_215, %sub3A_215 : vector<16xf32>
      %neg3A_217 = arith.constant 0.000000e+00 : f32
      %neg3A_218 = vector.broadcast %neg3A_217 : f32 to vector<16xf32>
      %neg3A_219 = arith.subf %neg3A_218, %mul3A_216 : vector<16xf32>
      %mul3A_220 = vector.broadcast %squeeze3A : f32 to vector<16xf32>
      %mul3A_221 = arith.mulf %neg3A_219, %mul3A_220 : vector<16xf32>
      %exp3A_222 = math.exp %mul3A_221 : vector<16xf32>
      %mul3A_223 = arith.constant 16 : i32
      %mul3A_224 = arith.muli %add3A_18, %mul3A_223 : i32
      %add3A_225 = arith.constant 8 : i32
      %add3A_226 = arith.addi %mul3A_224, %add3A_225 : i32
      %mul3A_227 = arith.constant 16 : i32
      %mul3A_228 = arith.muli %add3A_226, %mul3A_227 : i32
      %swap3A_229 = arith.index_cast %mul3A_228 : i32 to index
      %swap3A_230 = tpu.vector_load %arg12[%swap3A_229] {strides = array<i32>} : memref<32768xf32, #tpu.memory_space<vmem>>, vector<16xf32>,
      tpu.vector_store %arg12[%swap3A_229], %exp3A_222 {strides = array<i32>} : memref<32768xf32, #tpu.memory_space<vmem>>, vector<16xf32>,
      %sub3A_231 = arith.constant 1.200000e+01 : f32
      %sub3A_232 = vector.broadcast %sub3A_231 : f32 to vector<16xf32>
      %sub3A_233 = arith.subf %mul3A_71, %sub3A_232 : vector<16xf32>
      %mul3A_234 = arith.mulf %sub3A_233, %sub3A_233 : vector<16xf32>
      %neg3A_235 = arith.constant 0.000000e+00 : f32
      %neg3A_236 = vector.broadcast %neg3A_235 : f32 to vector<16xf32>
      %neg3A_237 = arith.subf %neg3A_236, %mul3A_234 : vector<16xf32>
      %mul3A_238 = vector.broadcast %squeeze3A : f32 to vector<16xf32>
      %mul3A_239 = arith.mulf %neg3A_237, %mul3A_238 : vector<16xf32>
      %exp3A_240 = math.exp %mul3A_239 : vector<16xf32>
      %mul3A_241 = arith.constant 16 : i32
      %mul3A_242 = arith.muli %add3A_18, %mul3A_241 : i32
      %add3A_243 = arith.constant 9 : i32
      %add3A_244 = arith.addi %mul3A_242, %add3A_243 : i32
      %mul3A_245 = arith.constant 16 : i32
      %mul3A_246 = arith.muli %add3A_244, %mul3A_245 : i32
      %swap3A_247 = arith.index_cast %mul3A_246 : i32 to index
      %swap3A_248 = tpu.vector_load %arg12[%swap3A_247] {strides = array<i32>} : memref<32768xf32, #tpu.memory_space<vmem>>, vector<16xf32>,
      tpu.vector_store %arg12[%swap3A_247], %exp3A_240 {strides = array<i32>} : memref<32768xf32, #tpu.memory_space<vmem>>, vector<16xf32>,
      %sub3A_249 = arith.constant 13.333333 : f32
      %sub3A_250 = vector.broadcast %sub3A_249 : f32 to vector<16xf32>
      %sub3A_251 = arith.subf %mul3A_71, %sub3A_250 : vector<16xf32>
      %mul3A_252 = arith.mulf %sub3A_251, %sub3A_251 : vector<16xf32>
      %neg3A_253 = arith.constant 0.000000e+00 : f32
      %neg3A_254 = vector.broadcast %neg3A_253 : f32 to vector<16xf32>
      %neg3A_255 = arith.subf %neg3A_254, %mul3A_252 : vector<16xf32>
      %mul3A_256 = vector.broadcast %squeeze3A : f32 to vector<16xf32>
      %mul3A_257 = arith.mulf %neg3A_255, %mul3A_256 : vector<16xf32>
      %exp3A_258 = math.exp %mul3A_257 : vector<16xf32>
      %mul3A_259 = arith.constant 16 : i32
      %mul3A_260 = arith.muli %add3A_18, %mul3A_259 : i32
      %add3A_261 = arith.constant 10 : i32
      %add3A_262 = arith.addi %mul3A_260, %add3A_261 : i32
      %mul3A_263 = arith.constant 16 : i32
      %mul3A_264 = arith.muli %add3A_262, %mul3A_263 : i32
      %swap3A_265 = arith.index_cast %mul3A_264 : i32 to index
      %swap3A_266 = tpu.vector_load %arg12[%swap3A_265] {strides = array<i32>} : memref<32768xf32, #tpu.memory_space<vmem>>, vector<16xf32>,
      tpu.vector_store %arg12[%swap3A_265], %exp3A_258 {strides = array<i32>} : memref<32768xf32, #tpu.memory_space<vmem>>, vector<16xf32>,
      %sub3A_267 = arith.constant 14.666667 : f32
      %sub3A_268 = vector.broadcast %sub3A_267 : f32 to vector<16xf32>
      %sub3A_269 = arith.subf %mul3A_71, %sub3A_268 : vector<16xf32>
      %mul3A_270 = arith.mulf %sub3A_269, %sub3A_269 : vector<16xf32>
      %neg3A_271 = arith.constant 0.000000e+00 : f32
      %neg3A_272 = vector.broadcast %neg3A_271 : f32 to vector<16xf32>
      %neg3A_273 = arith.subf %neg3A_272, %mul3A_270 : vector<16xf32>
      %mul3A_274 = vector.broadcast %squeeze3A : f32 to vector<16xf32>
      %mul3A_275 = arith.mulf %neg3A_273, %mul3A_274 : vector<16xf32>
      %exp3A_276 = math.exp %mul3A_275 : vector<16xf32>
      %mul3A_277 = arith.constant 16 : i32
      %mul3A_278 = arith.muli %add3A_18, %mul3A_277 : i32
      %add3A_279 = arith.constant 11 : i32
      %add3A_280 = arith.addi %mul3A_278, %add3A_279 : i32
      %mul3A_281 = arith.constant 16 : i32
      %mul3A_282 = arith.muli %add3A_280, %mul3A_281 : i32
      %swap3A_283 = arith.index_cast %mul3A_282 : i32 to index
      %swap3A_284 = tpu.vector_load %arg12[%swap3A_283] {strides = array<i32>} : memref<32768xf32, #tpu.memory_space<vmem>>, vector<16xf32>,
      tpu.vector_store %arg12[%swap3A_283], %exp3A_276 {strides = array<i32>} : memref<32768xf32, #tpu.memory_space<vmem>>, vector<16xf32>,
      %sub3A_285 = arith.constant 1.600000e+01 : f32
      %sub3A_286 = vector.broadcast %sub3A_285 : f32 to vector<16xf32>
      %sub3A_287 = arith.subf %mul3A_71, %sub3A_286 : vector<16xf32>
      %mul3A_288 = arith.mulf %sub3A_287, %sub3A_287 : vector<16xf32>
      %neg3A_289 = arith.constant 0.000000e+00 : f32
      %neg3A_290 = vector.broadcast %neg3A_289 : f32 to vector<16xf32>
      %neg3A_291 = arith.subf %neg3A_290, %mul3A_288 : vector<16xf32>
      %mul3A_292 = vector.broadcast %squeeze3A : f32 to vector<16xf32>
      %mul3A_293 = arith.mulf %neg3A_291, %mul3A_292 : vector<16xf32>
      %exp3A_294 = math.exp %mul3A_293 : vector<16xf32>
      %mul3A_295 = arith.constant 16 : i32
      %mul3A_296 = arith.muli %add3A_18, %mul3A_295 : i32
      %add3A_297 = arith.constant 12 : i32
      %add3A_298 = arith.addi %mul3A_296, %add3A_297 : i32
      %mul3A_299 = arith.constant 16 : i32
      %mul3A_300 = arith.muli %add3A_298, %mul3A_299 : i32
      %swap3A_301 = arith.index_cast %mul3A_300 : i32 to index
      %swap3A_302 = tpu.vector_load %arg12[%swap3A_301] {strides = array<i32>} : memref<32768xf32, #tpu.memory_space<vmem>>, vector<16xf32>,
      tpu.vector_store %arg12[%swap3A_301], %exp3A_294 {strides = array<i32>} : memref<32768xf32, #tpu.memory_space<vmem>>, vector<16xf32>,
      %sub3A_303 = arith.constant 17.333334 : f32
      %sub3A_304 = vector.broadcast %sub3A_303 : f32 to vector<16xf32>
      %sub3A_305 = arith.subf %mul3A_71, %sub3A_304 : vector<16xf32>
      %mul3A_306 = arith.mulf %sub3A_305, %sub3A_305 : vector<16xf32>
      %neg3A_307 = arith.constant 0.000000e+00 : f32
      %neg3A_308 = vector.broadcast %neg3A_307 : f32 to vector<16xf32>
      %neg3A_309 = arith.subf %neg3A_308, %mul3A_306 : vector<16xf32>
      %mul3A_310 = vector.broadcast %squeeze3A : f32 to vector<16xf32>
      %mul3A_311 = arith.mulf %neg3A_309, %mul3A_310 : vector<16xf32>
      %exp3A_312 = math.exp %mul3A_311 : vector<16xf32>
      %mul3A_313 = arith.constant 16 : i32
      %mul3A_314 = arith.muli %add3A_18, %mul3A_313 : i32
      %add3A_315 = arith.constant 13 : i32
      %add3A_316 = arith.addi %mul3A_314, %add3A_315 : i32
      %mul3A_317 = arith.constant 16 : i32
      %mul3A_318 = arith.muli %add3A_316, %mul3A_317 : i32
      %swap3A_319 = arith.index_cast %mul3A_318 : i32 to index
      %swap3A_320 = tpu.vector_load %arg12[%swap3A_319] {strides = array<i32>} : memref<32768xf32, #tpu.memory_space<vmem>>, vector<16xf32>,
      tpu.vector_store %arg12[%swap3A_319], %exp3A_312 {strides = array<i32>} : memref<32768xf32, #tpu.memory_space<vmem>>, vector<16xf32>,
      %sub3A_321 = arith.constant 18.666666 : f32
      %sub3A_322 = vector.broadcast %sub3A_321 : f32 to vector<16xf32>
      %sub3A_323 = arith.subf %mul3A_71, %sub3A_322 : vector<16xf32>
      %mul3A_324 = arith.mulf %sub3A_323, %sub3A_323 : vector<16xf32>
      %neg3A_325 = arith.constant 0.000000e+00 : f32
      %neg3A_326 = vector.broadcast %neg3A_325 : f32 to vector<16xf32>
      %neg3A_327 = arith.subf %neg3A_326, %mul3A_324 : vector<16xf32>
      %mul3A_328 = vector.broadcast %squeeze3A : f32 to vector<16xf32>
      %mul3A_329 = arith.mulf %neg3A_327, %mul3A_328 : vector<16xf32>
      %exp3A_330 = math.exp %mul3A_329 : vector<16xf32>
      %mul3A_331 = arith.constant 16 : i32
      %mul3A_332 = arith.muli %add3A_18, %mul3A_331 : i32
      %add3A_333 = arith.constant 14 : i32
      %add3A_334 = arith.addi %mul3A_332, %add3A_333 : i32
      %mul3A_335 = arith.constant 16 : i32
      %mul3A_336 = arith.muli %add3A_334, %mul3A_335 : i32
      %swap3A_337 = arith.index_cast %mul3A_336 : i32 to index
      %swap3A_338 = tpu.vector_load %arg12[%swap3A_337] {strides = array<i32>} : memref<32768xf32, #tpu.memory_space<vmem>>, vector<16xf32>,
      tpu.vector_store %arg12[%swap3A_337], %exp3A_330 {strides = array<i32>} : memref<32768xf32, #tpu.memory_space<vmem>>, vector<16xf32>,
      %sub3A_339 = arith.constant 2.000000e+01 : f32
      %sub3A_340 = vector.broadcast %sub3A_339 : f32 to vector<16xf32>
      %sub3A_341 = arith.subf %mul3A_71, %sub3A_340 : vector<16xf32>
      %mul3A_342 = arith.mulf %sub3A_341, %sub3A_341 : vector<16xf32>
      %neg3A_343 = arith.constant 0.000000e+00 : f32
      %neg3A_344 = vector.broadcast %neg3A_343 : f32 to vector<16xf32>
      %neg3A_345 = arith.subf %neg3A_344, %mul3A_342 : vector<16xf32>
      %mul3A_346 = vector.broadcast %squeeze3A : f32 to vector<16xf32>
      %mul3A_347 = arith.mulf %neg3A_345, %mul3A_346 : vector<16xf32>
      %exp3A_348 = math.exp %mul3A_347 : vector<16xf32>
      %mul3A_349 = arith.constant 16 : i32
      %mul3A_350 = arith.muli %add3A_18, %mul3A_349 : i32
      %add3A_351 = arith.constant 15 : i32
      %add3A_352 = arith.addi %mul3A_350, %add3A_351 : i32
      %mul3A_353 = arith.constant 16 : i32
      %mul3A_354 = arith.muli %add3A_352, %mul3A_353 : i32
      %swap3A_355 = arith.index_cast %mul3A_354 : i32 to index
      %swap3A_356 = tpu.vector_load %arg12[%swap3A_355] {strides = array<i32>} : memref<32768xf32, #tpu.memory_space<vmem>>, vector<16xf32>,
      tpu.vector_store %arg12[%swap3A_355], %exp3A_348 {strides = array<i32>} : memref<32768xf32, #tpu.memory_space<vmem>>, vector<16xf32>,
    }
    %scan3A_9 = arith.constant 128 : i32
    %mul3A_10 = arith.constant 16 : i32
    %mul3A_11 = arith.muli %mul3A_3, %mul3A_10 : i32
    %mul3A_12 = arith.constant 16 : i32
    %mul3A_13 = arith.muli %mul3A_11, %mul3A_12 : i32
    "tpu.region"() ({
      %run_scoped3A = tpu.sem_alloc : memref<!tpu.dma_semaphore, #tpu.memory_space<semaphore_mem>>
      %dma_start3A = tpu.memref_slice %arg7[%mul3A_13] : memref<1048576xf32, #tpu.memory_space<hbm>> -> memref<32768xf32, #tpu.memory_space<hbm>>
      %dma_start3A_14 = tpu.memref_slice %arg7[%mul3A_13] : memref<1048576xf32, #tpu.memory_space<hbm>> -> memref<32768xf32, #tpu.memory_space<hbm>>
      tpu.enqueue_dma source(%arg12 : memref<32768xf32, #tpu.memory_space<vmem>>) target(%dma_start3A_14 : memref<32768xf32, #tpu.memory_space<hbm>>) target_semaphore(%run_scoped3A : memref<!tpu.dma_semaphore, #tpu.memory_space<semaphore_mem>>)
      %dma_wait3A = tpu.memref_slice %arg7[%mul3A_13] : memref<1048576xf32, #tpu.memory_space<hbm>> -> memref<32768xf32, #tpu.memory_space<hbm>>
      %dma_wait3A_15 = tpu.memref_slice %arg7[%mul3A_13] : memref<1048576xf32, #tpu.memory_space<hbm>> -> memref<32768xf32, #tpu.memory_space<hbm>>
      tpu.wait_dma2 semaphore(%run_scoped3A : memref<!tpu.dma_semaphore, #tpu.memory_space<semaphore_mem>>) src(%arg12 : memref<32768xf32, #tpu.memory_space<vmem>>) dst(%dma_wait3A_15 : memref<32768xf32, #tpu.memory_space<hbm>>)
      tpu.yield
    }) : () -> ()
    return
  }
}

module attributes {stable_mosaic.version = 14 : i64} {
  func.func @_tc_body(%arg0: i32, %arg1: memref<256x8xf32, #tpu.memory_space<vmem>>, %arg2: memref<8x4096xf32, #tpu.memory_space<vmem>>, %arg3: memref<256x16xi32, #tpu.memory_space<vmem>>) attributes {dimension_semantics = [#tpu.dimension_semantics<arbitrary>], iteration_bounds = array<i64: 16>, scalar_prefetch = 0 : i64, scratch_operands = 0 : i64, tpu.core_type = #tpu.core_type<tc>, window_params = [{transform_indices = @transform_0, window_bounds = array<i64: 256, 8>}, {pipeline_mode = #tpu.pipeline_mode<synchronous>, transform_indices = @transform_1, window_bounds = array<i64: 8, 4096>}, {transform_indices = @transform_2, window_bounds = array<i64: 256, 16>}]} {
    %get3A = arith.constant 0 : index
    %get3A_0 = arith.constant 0 : index
    %get3A_1 = vector.load %arg1[%get3A, %get3A_0] : memref<256x8xf32, #tpu.memory_space<vmem>>, vector<256x1xf32>
    %get3A_2 = arith.constant 0 : index
    %get3A_3 = arith.constant 1 : index
    %get3A_4 = vector.load %arg1[%get3A_2, %get3A_3] : memref<256x8xf32, #tpu.memory_space<vmem>>, vector<256x1xf32>
    %get3A_5 = arith.constant 0 : index
    %get3A_6 = arith.constant 2 : index
    %get3A_7 = vector.load %arg1[%get3A_5, %get3A_6] : memref<256x8xf32, #tpu.memory_space<vmem>>, vector<256x1xf32>
    %get3A_8 = arith.constant 0 : index
    %get3A_9 = arith.constant 3 : index
    %get3A_10 = vector.load %arg1[%get3A_8, %get3A_9] : memref<256x8xf32, #tpu.memory_space<vmem>>, vector<256x1xf32>
    %get3A_11 = arith.constant 0 : index
    %get3A_12 = arith.constant 0 : index
    %get3A_13 = vector.load %arg2[%get3A_11, %get3A_12] : memref<8x4096xf32, #tpu.memory_space<vmem>>, vector<1x4096xf32>
    %get3A_14 = arith.constant 1 : index
    %get3A_15 = arith.constant 0 : index
    %get3A_16 = vector.load %arg2[%get3A_14, %get3A_15] : memref<8x4096xf32, #tpu.memory_space<vmem>>, vector<1x4096xf32>
    %get3A_17 = arith.constant 2 : index
    %get3A_18 = arith.constant 0 : index
    %get3A_19 = vector.load %arg2[%get3A_17, %get3A_18] : memref<8x4096xf32, #tpu.memory_space<vmem>>, vector<1x4096xf32>
    %get3A_20 = arith.constant 3 : index
    %get3A_21 = arith.constant 0 : index
    %get3A_22 = vector.load %arg2[%get3A_20, %get3A_21] : memref<8x4096xf32, #tpu.memory_space<vmem>>, vector<1x4096xf32>
    %mul3A = vector.broadcast %get3A_1 : vector<256x1xf32> to vector<256x4096xf32>
    %mul3A_23 = vector.broadcast %get3A_13 : vector<1x4096xf32> to vector<256x4096xf32>
    %mul3A_24 = arith.mulf %mul3A, %mul3A_23 : vector<256x4096xf32>
    %mul3A_25 = vector.broadcast %get3A_4 : vector<256x1xf32> to vector<256x4096xf32>
    %mul3A_26 = vector.broadcast %get3A_16 : vector<1x4096xf32> to vector<256x4096xf32>
    %mul3A_27 = arith.mulf %mul3A_25, %mul3A_26 : vector<256x4096xf32>
    %add3A = arith.addf %mul3A_24, %mul3A_27 : vector<256x4096xf32>
    %mul3A_28 = vector.broadcast %get3A_7 : vector<256x1xf32> to vector<256x4096xf32>
    %mul3A_29 = vector.broadcast %get3A_19 : vector<1x4096xf32> to vector<256x4096xf32>
    %mul3A_30 = arith.mulf %mul3A_28, %mul3A_29 : vector<256x4096xf32>
    %add3A_31 = arith.addf %add3A, %mul3A_30 : vector<256x4096xf32>
    %add3A_32 = vector.broadcast %get3A_10 : vector<256x1xf32> to vector<256x4096xf32>
    %add3A_33 = vector.broadcast %get3A_22 : vector<1x4096xf32> to vector<256x4096xf32>
    %add3A_34 = arith.addf %add3A_32, %add3A_33 : vector<256x4096xf32>
    %mul3A_35 = arith.constant 2.000000e+00 : f32
    %mul3A_36 = vector.broadcast %mul3A_35 : f32 to vector<256x4096xf32>
    %mul3A_37 = arith.mulf %mul3A_36, %add3A_31 : vector<256x4096xf32>
    %sub3A = arith.subf %add3A_34, %mul3A_37 : vector<256x4096xf32>
    %max3A = arith.constant 9.99999996E-13 : f32
    %max3A_38 = vector.broadcast %max3A : f32 to vector<256x4096xf32>
    %max3A_39 = arith.maximumf %sub3A, %max3A_38 : vector<256x4096xf32>
    %sqrt3A = math.sqrt %max3A_39 : vector<256x4096xf32>
    %iota3A = tpu.iota {dimensions = array<i32: 1>} : vector<256x4096xi32>
    %reduce_min3A = arith.constant dense<0x7F800000> : vector<256xf32>
    %reduce_min3A_40 = vector.multi_reduction <minimumf>, %sqrt3A, %reduce_min3A [1] : vector<256x4096xf32> to vector<256xf32>
    %broadcast_in_dim3A = vector.shape_cast %reduce_min3A_40 : vector<256xf32> to vector<256x1xf32>
    %eq3A = vector.broadcast %broadcast_in_dim3A : vector<256x1xf32> to vector<256x4096xf32>
    %eq3A_41 = arith.cmpf oeq, %sqrt3A, %eq3A : vector<256x4096xf32>
    %jit3A = arith.constant 4096 : i32
    %broadcast_in_dim3A_42 = vector.broadcast %jit3A : i32 to vector<256x4096xi32>
    %select_n3A = arith.select %eq3A_41, %iota3A, %broadcast_in_dim3A_42 : vector<256x4096xi1>, vector<256x4096xi32>
    %reduce_min3A_43 = arith.constant dense<2147483647> : vector<256xi32>
    %reduce_min3A_44 = vector.multi_reduction <minsi>, %select_n3A, %reduce_min3A_43 [1] : vector<256x4096xi32> to vector<256xi32>
    %broadcast_in_dim3A_45 = vector.shape_cast %reduce_min3A_44 : vector<256xi32> to vector<256x1xi32>
    %eq3A_46 = vector.broadcast %broadcast_in_dim3A_45 : vector<256x1xi32> to vector<256x4096xi32>
    %eq3A_47 = arith.cmpi eq, %iota3A, %eq3A_46 : vector<256x4096xi32>
    %jit3A_48 = arith.constant 0x7F800000 : f32
    %broadcast_in_dim3A_49 = vector.broadcast %jit3A_48 : f32 to vector<256x4096xf32>
    %select_n3A_50 = arith.select %eq3A_47, %broadcast_in_dim3A_49, %sqrt3A : vector<256x4096xi1>, vector<256x4096xf32>
    %swap3A = arith.constant 0 : index
    %swap3A_51 = arith.constant 0 : index
    %swap3A_52 = vector.load %arg3[%swap3A, %swap3A_51] : memref<256x16xi32, #tpu.memory_space<vmem>>, vector<256x1xi32>
    tpu.vector_store %arg3[%swap3A, %swap3A_51], %broadcast_in_dim3A_45 {strides = array<i32>} : memref<256x16xi32, #tpu.memory_space<vmem>>, vector<256x1xi32>,
    %reduce_min3A_53 = arith.constant dense<0x7F800000> : vector<256xf32>
    %reduce_min3A_54 = vector.multi_reduction <minimumf>, %select_n3A_50, %reduce_min3A_53 [1] : vector<256x4096xf32> to vector<256xf32>
    %broadcast_in_dim3A_55 = vector.shape_cast %reduce_min3A_54 : vector<256xf32> to vector<256x1xf32>
    %eq3A_56 = vector.broadcast %broadcast_in_dim3A_55 : vector<256x1xf32> to vector<256x4096xf32>
    %eq3A_57 = arith.cmpf oeq, %select_n3A_50, %eq3A_56 : vector<256x4096xf32>
    %jit3A_58 = arith.constant 4096 : i32
    %broadcast_in_dim3A_59 = vector.broadcast %jit3A_58 : i32 to vector<256x4096xi32>
    %select_n3A_60 = arith.select %eq3A_57, %iota3A, %broadcast_in_dim3A_59 : vector<256x4096xi1>, vector<256x4096xi32>
    %reduce_min3A_61 = arith.constant dense<2147483647> : vector<256xi32>
    %reduce_min3A_62 = vector.multi_reduction <minsi>, %select_n3A_60, %reduce_min3A_61 [1] : vector<256x4096xi32> to vector<256xi32>
    %broadcast_in_dim3A_63 = vector.shape_cast %reduce_min3A_62 : vector<256xi32> to vector<256x1xi32>
    %eq3A_64 = vector.broadcast %broadcast_in_dim3A_63 : vector<256x1xi32> to vector<256x4096xi32>
    %eq3A_65 = arith.cmpi eq, %iota3A, %eq3A_64 : vector<256x4096xi32>
    %jit3A_66 = arith.constant 0x7F800000 : f32
    %broadcast_in_dim3A_67 = vector.broadcast %jit3A_66 : f32 to vector<256x4096xf32>
    %select_n3A_68 = arith.select %eq3A_65, %broadcast_in_dim3A_67, %select_n3A_50 : vector<256x4096xi1>, vector<256x4096xf32>
    %swap3A_69 = arith.constant 0 : index
    %swap3A_70 = arith.constant 1 : index
    %swap3A_71 = vector.load %arg3[%swap3A_69, %swap3A_70] : memref<256x16xi32, #tpu.memory_space<vmem>>, vector<256x1xi32>
    tpu.vector_store %arg3[%swap3A_69, %swap3A_70], %broadcast_in_dim3A_63 {strides = array<i32>} : memref<256x16xi32, #tpu.memory_space<vmem>>, vector<256x1xi32>,
    %reduce_min3A_72 = arith.constant dense<0x7F800000> : vector<256xf32>
    %reduce_min3A_73 = vector.multi_reduction <minimumf>, %select_n3A_68, %reduce_min3A_72 [1] : vector<256x4096xf32> to vector<256xf32>
    %broadcast_in_dim3A_74 = vector.shape_cast %reduce_min3A_73 : vector<256xf32> to vector<256x1xf32>
    %eq3A_75 = vector.broadcast %broadcast_in_dim3A_74 : vector<256x1xf32> to vector<256x4096xf32>
    %eq3A_76 = arith.cmpf oeq, %select_n3A_68, %eq3A_75 : vector<256x4096xf32>
    %jit3A_77 = arith.constant 4096 : i32
    %broadcast_in_dim3A_78 = vector.broadcast %jit3A_77 : i32 to vector<256x4096xi32>
    %select_n3A_79 = arith.select %eq3A_76, %iota3A, %broadcast_in_dim3A_78 : vector<256x4096xi1>, vector<256x4096xi32>
    %reduce_min3A_80 = arith.constant dense<2147483647> : vector<256xi32>
    %reduce_min3A_81 = vector.multi_reduction <minsi>, %select_n3A_79, %reduce_min3A_80 [1] : vector<256x4096xi32> to vector<256xi32>
    %broadcast_in_dim3A_82 = vector.shape_cast %reduce_min3A_81 : vector<256xi32> to vector<256x1xi32>
    %eq3A_83 = vector.broadcast %broadcast_in_dim3A_82 : vector<256x1xi32> to vector<256x4096xi32>
    %eq3A_84 = arith.cmpi eq, %iota3A, %eq3A_83 : vector<256x4096xi32>
    %jit3A_85 = arith.constant 0x7F800000 : f32
    %broadcast_in_dim3A_86 = vector.broadcast %jit3A_85 : f32 to vector<256x4096xf32>
    %select_n3A_87 = arith.select %eq3A_84, %broadcast_in_dim3A_86, %select_n3A_68 : vector<256x4096xi1>, vector<256x4096xf32>
    %swap3A_88 = arith.constant 0 : index
    %swap3A_89 = arith.constant 2 : index
    %swap3A_90 = vector.load %arg3[%swap3A_88, %swap3A_89] : memref<256x16xi32, #tpu.memory_space<vmem>>, vector<256x1xi32>
    tpu.vector_store %arg3[%swap3A_88, %swap3A_89], %broadcast_in_dim3A_82 {strides = array<i32>} : memref<256x16xi32, #tpu.memory_space<vmem>>, vector<256x1xi32>,
    %reduce_min3A_91 = arith.constant dense<0x7F800000> : vector<256xf32>
    %reduce_min3A_92 = vector.multi_reduction <minimumf>, %select_n3A_87, %reduce_min3A_91 [1] : vector<256x4096xf32> to vector<256xf32>
    %broadcast_in_dim3A_93 = vector.shape_cast %reduce_min3A_92 : vector<256xf32> to vector<256x1xf32>
    %eq3A_94 = vector.broadcast %broadcast_in_dim3A_93 : vector<256x1xf32> to vector<256x4096xf32>
    %eq3A_95 = arith.cmpf oeq, %select_n3A_87, %eq3A_94 : vector<256x4096xf32>
    %jit3A_96 = arith.constant 4096 : i32
    %broadcast_in_dim3A_97 = vector.broadcast %jit3A_96 : i32 to vector<256x4096xi32>
    %select_n3A_98 = arith.select %eq3A_95, %iota3A, %broadcast_in_dim3A_97 : vector<256x4096xi1>, vector<256x4096xi32>
    %reduce_min3A_99 = arith.constant dense<2147483647> : vector<256xi32>
    %reduce_min3A_100 = vector.multi_reduction <minsi>, %select_n3A_98, %reduce_min3A_99 [1] : vector<256x4096xi32> to vector<256xi32>
    %broadcast_in_dim3A_101 = vector.shape_cast %reduce_min3A_100 : vector<256xi32> to vector<256x1xi32>
    %eq3A_102 = vector.broadcast %broadcast_in_dim3A_101 : vector<256x1xi32> to vector<256x4096xi32>
    %eq3A_103 = arith.cmpi eq, %iota3A, %eq3A_102 : vector<256x4096xi32>
    %jit3A_104 = arith.constant 0x7F800000 : f32
    %broadcast_in_dim3A_105 = vector.broadcast %jit3A_104 : f32 to vector<256x4096xf32>
    %select_n3A_106 = arith.select %eq3A_103, %broadcast_in_dim3A_105, %select_n3A_87 : vector<256x4096xi1>, vector<256x4096xf32>
    %swap3A_107 = arith.constant 0 : index
    %swap3A_108 = arith.constant 3 : index
    %swap3A_109 = vector.load %arg3[%swap3A_107, %swap3A_108] : memref<256x16xi32, #tpu.memory_space<vmem>>, vector<256x1xi32>
    tpu.vector_store %arg3[%swap3A_107, %swap3A_108], %broadcast_in_dim3A_101 {strides = array<i32>} : memref<256x16xi32, #tpu.memory_space<vmem>>, vector<256x1xi32>,
    %reduce_min3A_110 = arith.constant dense<0x7F800000> : vector<256xf32>
    %reduce_min3A_111 = vector.multi_reduction <minimumf>, %select_n3A_106, %reduce_min3A_110 [1] : vector<256x4096xf32> to vector<256xf32>
    %broadcast_in_dim3A_112 = vector.shape_cast %reduce_min3A_111 : vector<256xf32> to vector<256x1xf32>
    %eq3A_113 = vector.broadcast %broadcast_in_dim3A_112 : vector<256x1xf32> to vector<256x4096xf32>
    %eq3A_114 = arith.cmpf oeq, %select_n3A_106, %eq3A_113 : vector<256x4096xf32>
    %jit3A_115 = arith.constant 4096 : i32
    %broadcast_in_dim3A_116 = vector.broadcast %jit3A_115 : i32 to vector<256x4096xi32>
    %select_n3A_117 = arith.select %eq3A_114, %iota3A, %broadcast_in_dim3A_116 : vector<256x4096xi1>, vector<256x4096xi32>
    %reduce_min3A_118 = arith.constant dense<2147483647> : vector<256xi32>
    %reduce_min3A_119 = vector.multi_reduction <minsi>, %select_n3A_117, %reduce_min3A_118 [1] : vector<256x4096xi32> to vector<256xi32>
    %broadcast_in_dim3A_120 = vector.shape_cast %reduce_min3A_119 : vector<256xi32> to vector<256x1xi32>
    %eq3A_121 = vector.broadcast %broadcast_in_dim3A_120 : vector<256x1xi32> to vector<256x4096xi32>
    %eq3A_122 = arith.cmpi eq, %iota3A, %eq3A_121 : vector<256x4096xi32>
    %jit3A_123 = arith.constant 0x7F800000 : f32
    %broadcast_in_dim3A_124 = vector.broadcast %jit3A_123 : f32 to vector<256x4096xf32>
    %select_n3A_125 = arith.select %eq3A_122, %broadcast_in_dim3A_124, %select_n3A_106 : vector<256x4096xi1>, vector<256x4096xf32>
    %swap3A_126 = arith.constant 0 : index
    %swap3A_127 = arith.constant 4 : index
    %swap3A_128 = vector.load %arg3[%swap3A_126, %swap3A_127] : memref<256x16xi32, #tpu.memory_space<vmem>>, vector<256x1xi32>
    tpu.vector_store %arg3[%swap3A_126, %swap3A_127], %broadcast_in_dim3A_120 {strides = array<i32>} : memref<256x16xi32, #tpu.memory_space<vmem>>, vector<256x1xi32>,
    %reduce_min3A_129 = arith.constant dense<0x7F800000> : vector<256xf32>
    %reduce_min3A_130 = vector.multi_reduction <minimumf>, %select_n3A_125, %reduce_min3A_129 [1] : vector<256x4096xf32> to vector<256xf32>
    %broadcast_in_dim3A_131 = vector.shape_cast %reduce_min3A_130 : vector<256xf32> to vector<256x1xf32>
    %eq3A_132 = vector.broadcast %broadcast_in_dim3A_131 : vector<256x1xf32> to vector<256x4096xf32>
    %eq3A_133 = arith.cmpf oeq, %select_n3A_125, %eq3A_132 : vector<256x4096xf32>
    %jit3A_134 = arith.constant 4096 : i32
    %broadcast_in_dim3A_135 = vector.broadcast %jit3A_134 : i32 to vector<256x4096xi32>
    %select_n3A_136 = arith.select %eq3A_133, %iota3A, %broadcast_in_dim3A_135 : vector<256x4096xi1>, vector<256x4096xi32>
    %reduce_min3A_137 = arith.constant dense<2147483647> : vector<256xi32>
    %reduce_min3A_138 = vector.multi_reduction <minsi>, %select_n3A_136, %reduce_min3A_137 [1] : vector<256x4096xi32> to vector<256xi32>
    %broadcast_in_dim3A_139 = vector.shape_cast %reduce_min3A_138 : vector<256xi32> to vector<256x1xi32>
    %eq3A_140 = vector.broadcast %broadcast_in_dim3A_139 : vector<256x1xi32> to vector<256x4096xi32>
    %eq3A_141 = arith.cmpi eq, %iota3A, %eq3A_140 : vector<256x4096xi32>
    %jit3A_142 = arith.constant 0x7F800000 : f32
    %broadcast_in_dim3A_143 = vector.broadcast %jit3A_142 : f32 to vector<256x4096xf32>
    %select_n3A_144 = arith.select %eq3A_141, %broadcast_in_dim3A_143, %select_n3A_125 : vector<256x4096xi1>, vector<256x4096xf32>
    %swap3A_145 = arith.constant 0 : index
    %swap3A_146 = arith.constant 5 : index
    %swap3A_147 = vector.load %arg3[%swap3A_145, %swap3A_146] : memref<256x16xi32, #tpu.memory_space<vmem>>, vector<256x1xi32>
    tpu.vector_store %arg3[%swap3A_145, %swap3A_146], %broadcast_in_dim3A_139 {strides = array<i32>} : memref<256x16xi32, #tpu.memory_space<vmem>>, vector<256x1xi32>,
    %reduce_min3A_148 = arith.constant dense<0x7F800000> : vector<256xf32>
    %reduce_min3A_149 = vector.multi_reduction <minimumf>, %select_n3A_144, %reduce_min3A_148 [1] : vector<256x4096xf32> to vector<256xf32>
    %broadcast_in_dim3A_150 = vector.shape_cast %reduce_min3A_149 : vector<256xf32> to vector<256x1xf32>
    %eq3A_151 = vector.broadcast %broadcast_in_dim3A_150 : vector<256x1xf32> to vector<256x4096xf32>
    %eq3A_152 = arith.cmpf oeq, %select_n3A_144, %eq3A_151 : vector<256x4096xf32>
    %jit3A_153 = arith.constant 4096 : i32
    %broadcast_in_dim3A_154 = vector.broadcast %jit3A_153 : i32 to vector<256x4096xi32>
    %select_n3A_155 = arith.select %eq3A_152, %iota3A, %broadcast_in_dim3A_154 : vector<256x4096xi1>, vector<256x4096xi32>
    %reduce_min3A_156 = arith.constant dense<2147483647> : vector<256xi32>
    %reduce_min3A_157 = vector.multi_reduction <minsi>, %select_n3A_155, %reduce_min3A_156 [1] : vector<256x4096xi32> to vector<256xi32>
    %broadcast_in_dim3A_158 = vector.shape_cast %reduce_min3A_157 : vector<256xi32> to vector<256x1xi32>
    %eq3A_159 = vector.broadcast %broadcast_in_dim3A_158 : vector<256x1xi32> to vector<256x4096xi32>
    %eq3A_160 = arith.cmpi eq, %iota3A, %eq3A_159 : vector<256x4096xi32>
    %jit3A_161 = arith.constant 0x7F800000 : f32
    %broadcast_in_dim3A_162 = vector.broadcast %jit3A_161 : f32 to vector<256x4096xf32>
    %select_n3A_163 = arith.select %eq3A_160, %broadcast_in_dim3A_162, %select_n3A_144 : vector<256x4096xi1>, vector<256x4096xf32>
    %swap3A_164 = arith.constant 0 : index
    %swap3A_165 = arith.constant 6 : index
    %swap3A_166 = vector.load %arg3[%swap3A_164, %swap3A_165] : memref<256x16xi32, #tpu.memory_space<vmem>>, vector<256x1xi32>
    tpu.vector_store %arg3[%swap3A_164, %swap3A_165], %broadcast_in_dim3A_158 {strides = array<i32>} : memref<256x16xi32, #tpu.memory_space<vmem>>, vector<256x1xi32>,
    %reduce_min3A_167 = arith.constant dense<0x7F800000> : vector<256xf32>
    %reduce_min3A_168 = vector.multi_reduction <minimumf>, %select_n3A_163, %reduce_min3A_167 [1] : vector<256x4096xf32> to vector<256xf32>
    %broadcast_in_dim3A_169 = vector.shape_cast %reduce_min3A_168 : vector<256xf32> to vector<256x1xf32>
    %eq3A_170 = vector.broadcast %broadcast_in_dim3A_169 : vector<256x1xf32> to vector<256x4096xf32>
    %eq3A_171 = arith.cmpf oeq, %select_n3A_163, %eq3A_170 : vector<256x4096xf32>
    %jit3A_172 = arith.constant 4096 : i32
    %broadcast_in_dim3A_173 = vector.broadcast %jit3A_172 : i32 to vector<256x4096xi32>
    %select_n3A_174 = arith.select %eq3A_171, %iota3A, %broadcast_in_dim3A_173 : vector<256x4096xi1>, vector<256x4096xi32>
    %reduce_min3A_175 = arith.constant dense<2147483647> : vector<256xi32>
    %reduce_min3A_176 = vector.multi_reduction <minsi>, %select_n3A_174, %reduce_min3A_175 [1] : vector<256x4096xi32> to vector<256xi32>
    %broadcast_in_dim3A_177 = vector.shape_cast %reduce_min3A_176 : vector<256xi32> to vector<256x1xi32>
    %eq3A_178 = vector.broadcast %broadcast_in_dim3A_177 : vector<256x1xi32> to vector<256x4096xi32>
    %eq3A_179 = arith.cmpi eq, %iota3A, %eq3A_178 : vector<256x4096xi32>
    %jit3A_180 = arith.constant 0x7F800000 : f32
    %broadcast_in_dim3A_181 = vector.broadcast %jit3A_180 : f32 to vector<256x4096xf32>
    %select_n3A_182 = arith.select %eq3A_179, %broadcast_in_dim3A_181, %select_n3A_163 : vector<256x4096xi1>, vector<256x4096xf32>
    %swap3A_183 = arith.constant 0 : index
    %swap3A_184 = arith.constant 7 : index
    %swap3A_185 = vector.load %arg3[%swap3A_183, %swap3A_184] : memref<256x16xi32, #tpu.memory_space<vmem>>, vector<256x1xi32>
    tpu.vector_store %arg3[%swap3A_183, %swap3A_184], %broadcast_in_dim3A_177 {strides = array<i32>} : memref<256x16xi32, #tpu.memory_space<vmem>>, vector<256x1xi32>,
    %reduce_min3A_186 = arith.constant dense<0x7F800000> : vector<256xf32>
    %reduce_min3A_187 = vector.multi_reduction <minimumf>, %select_n3A_182, %reduce_min3A_186 [1] : vector<256x4096xf32> to vector<256xf32>
    %broadcast_in_dim3A_188 = vector.shape_cast %reduce_min3A_187 : vector<256xf32> to vector<256x1xf32>
    %eq3A_189 = vector.broadcast %broadcast_in_dim3A_188 : vector<256x1xf32> to vector<256x4096xf32>
    %eq3A_190 = arith.cmpf oeq, %select_n3A_182, %eq3A_189 : vector<256x4096xf32>
    %jit3A_191 = arith.constant 4096 : i32
    %broadcast_in_dim3A_192 = vector.broadcast %jit3A_191 : i32 to vector<256x4096xi32>
    %select_n3A_193 = arith.select %eq3A_190, %iota3A, %broadcast_in_dim3A_192 : vector<256x4096xi1>, vector<256x4096xi32>
    %reduce_min3A_194 = arith.constant dense<2147483647> : vector<256xi32>
    %reduce_min3A_195 = vector.multi_reduction <minsi>, %select_n3A_193, %reduce_min3A_194 [1] : vector<256x4096xi32> to vector<256xi32>
    %broadcast_in_dim3A_196 = vector.shape_cast %reduce_min3A_195 : vector<256xi32> to vector<256x1xi32>
    %eq3A_197 = vector.broadcast %broadcast_in_dim3A_196 : vector<256x1xi32> to vector<256x4096xi32>
    %eq3A_198 = arith.cmpi eq, %iota3A, %eq3A_197 : vector<256x4096xi32>
    %jit3A_199 = arith.constant 0x7F800000 : f32
    %broadcast_in_dim3A_200 = vector.broadcast %jit3A_199 : f32 to vector<256x4096xf32>
    %select_n3A_201 = arith.select %eq3A_198, %broadcast_in_dim3A_200, %select_n3A_182 : vector<256x4096xi1>, vector<256x4096xf32>
    %swap3A_202 = arith.constant 0 : index
    %swap3A_203 = arith.constant 8 : index
    %swap3A_204 = vector.load %arg3[%swap3A_202, %swap3A_203] : memref<256x16xi32, #tpu.memory_space<vmem>>, vector<256x1xi32>
    tpu.vector_store %arg3[%swap3A_202, %swap3A_203], %broadcast_in_dim3A_196 {strides = array<i32>} : memref<256x16xi32, #tpu.memory_space<vmem>>, vector<256x1xi32>,
    %reduce_min3A_205 = arith.constant dense<0x7F800000> : vector<256xf32>
    %reduce_min3A_206 = vector.multi_reduction <minimumf>, %select_n3A_201, %reduce_min3A_205 [1] : vector<256x4096xf32> to vector<256xf32>
    %broadcast_in_dim3A_207 = vector.shape_cast %reduce_min3A_206 : vector<256xf32> to vector<256x1xf32>
    %eq3A_208 = vector.broadcast %broadcast_in_dim3A_207 : vector<256x1xf32> to vector<256x4096xf32>
    %eq3A_209 = arith.cmpf oeq, %select_n3A_201, %eq3A_208 : vector<256x4096xf32>
    %jit3A_210 = arith.constant 4096 : i32
    %broadcast_in_dim3A_211 = vector.broadcast %jit3A_210 : i32 to vector<256x4096xi32>
    %select_n3A_212 = arith.select %eq3A_209, %iota3A, %broadcast_in_dim3A_211 : vector<256x4096xi1>, vector<256x4096xi32>
    %reduce_min3A_213 = arith.constant dense<2147483647> : vector<256xi32>
    %reduce_min3A_214 = vector.multi_reduction <minsi>, %select_n3A_212, %reduce_min3A_213 [1] : vector<256x4096xi32> to vector<256xi32>
    %broadcast_in_dim3A_215 = vector.shape_cast %reduce_min3A_214 : vector<256xi32> to vector<256x1xi32>
    %swap3A_216 = arith.constant 0 : index
    %swap3A_217 = arith.constant 9 : index
    %swap3A_218 = vector.load %arg3[%swap3A_216, %swap3A_217] : memref<256x16xi32, #tpu.memory_space<vmem>>, vector<256x1xi32>
    tpu.vector_store %arg3[%swap3A_216, %swap3A_217], %broadcast_in_dim3A_215 {strides = array<i32>} : memref<256x16xi32, #tpu.memory_space<vmem>>, vector<256x1xi32>,
    %bitcast_convert_type3A = tpu.bitcast %sqrt3A : vector<256x4096xf32> -> vector<256x4096xi32>
    %and3A = arith.constant -4096 : i32
    %and3A_219 = vector.broadcast %and3A : i32 to vector<256x4096xi32>
    %and3A_220 = arith.andi %bitcast_convert_type3A, %and3A_219 : vector<256x4096xi32>
    %sub3A_221 = arith.constant 4095 : i32
    %sub3A_222 = vector.broadcast %sub3A_221 : i32 to vector<256x4096xi32>
    %sub3A_223 = arith.subi %sub3A_222, %iota3A : vector<256x4096xi32>
    %or3A = arith.ori %and3A_220, %sub3A_223 : vector<256x4096xi32>
    %reduce_max3A = arith.constant dense<-2147483648> : vector<256xi32>
    %reduce_max3A_224 = vector.multi_reduction <maxsi>, %or3A, %reduce_max3A [1] : vector<256x4096xi32> to vector<256xi32>
    %broadcast_in_dim3A_225 = vector.shape_cast %reduce_max3A_224 : vector<256xi32> to vector<256x1xi32>
    %eq3A_226 = vector.broadcast %broadcast_in_dim3A_225 : vector<256x1xi32> to vector<256x4096xi32>
    %eq3A_227 = arith.cmpi eq, %or3A, %eq3A_226 : vector<256x4096xi32>
    %jit3A_228 = arith.constant 0 : i32
    %broadcast_in_dim3A_229 = vector.broadcast %jit3A_228 : i32 to vector<256x4096xi32>
    %select_n3A_230 = arith.select %eq3A_227, %broadcast_in_dim3A_229, %or3A : vector<256x4096xi1>, vector<256x4096xi32>
    %and3A_231 = arith.constant 4095 : i32
    %and3A_232 = vector.broadcast %and3A_231 : i32 to vector<256x1xi32>
    %and3A_233 = arith.andi %broadcast_in_dim3A_225, %and3A_232 : vector<256x1xi32>
    %sub3A_234 = arith.constant 4095 : i32
    %sub3A_235 = vector.broadcast %sub3A_234 : i32 to vector<256x1xi32>
    %sub3A_236 = arith.subi %sub3A_235, %and3A_233 : vector<256x1xi32>
    %swap3A_237 = arith.constant 0 : index
    %swap3A_238 = arith.constant 10 : index
    %swap3A_239 = vector.load %arg3[%swap3A_237, %swap3A_238] : memref<256x16xi32, #tpu.memory_space<vmem>>, vector<256x1xi32>
    tpu.vector_store %arg3[%swap3A_237, %swap3A_238], %sub3A_236 {strides = array<i32>} : memref<256x16xi32, #tpu.memory_space<vmem>>, vector<256x1xi32>,
    %reduce_max3A_240 = arith.constant dense<-2147483648> : vector<256xi32>
    %reduce_max3A_241 = vector.multi_reduction <maxsi>, %select_n3A_230, %reduce_max3A_240 [1] : vector<256x4096xi32> to vector<256xi32>
    %broadcast_in_dim3A_242 = vector.shape_cast %reduce_max3A_241 : vector<256xi32> to vector<256x1xi32>
    %eq3A_243 = vector.broadcast %broadcast_in_dim3A_242 : vector<256x1xi32> to vector<256x4096xi32>
    %eq3A_244 = arith.cmpi eq, %select_n3A_230, %eq3A_243 : vector<256x4096xi32>
    %jit3A_245 = arith.constant 0 : i32
    %broadcast_in_dim3A_246 = vector.broadcast %jit3A_245 : i32 to vector<256x4096xi32>
    %select_n3A_247 = arith.select %eq3A_244, %broadcast_in_dim3A_246, %select_n3A_230 : vector<256x4096xi1>, vector<256x4096xi32>
    %and3A_248 = arith.constant 4095 : i32
    %and3A_249 = vector.broadcast %and3A_248 : i32 to vector<256x1xi32>
    %and3A_250 = arith.andi %broadcast_in_dim3A_242, %and3A_249 : vector<256x1xi32>
    %sub3A_251 = arith.constant 4095 : i32
    %sub3A_252 = vector.broadcast %sub3A_251 : i32 to vector<256x1xi32>
    %sub3A_253 = arith.subi %sub3A_252, %and3A_250 : vector<256x1xi32>
    %swap3A_254 = arith.constant 0 : index
    %swap3A_255 = arith.constant 11 : index
    %swap3A_256 = vector.load %arg3[%swap3A_254, %swap3A_255] : memref<256x16xi32, #tpu.memory_space<vmem>>, vector<256x1xi32>
    tpu.vector_store %arg3[%swap3A_254, %swap3A_255], %sub3A_253 {strides = array<i32>} : memref<256x16xi32, #tpu.memory_space<vmem>>, vector<256x1xi32>,
    %reduce_max3A_257 = arith.constant dense<-2147483648> : vector<256xi32>
    %reduce_max3A_258 = vector.multi_reduction <maxsi>, %select_n3A_247, %reduce_max3A_257 [1] : vector<256x4096xi32> to vector<256xi32>
    %broadcast_in_dim3A_259 = vector.shape_cast %reduce_max3A_258 : vector<256xi32> to vector<256x1xi32>
    %eq3A_260 = vector.broadcast %broadcast_in_dim3A_259 : vector<256x1xi32> to vector<256x4096xi32>
    %eq3A_261 = arith.cmpi eq, %select_n3A_247, %eq3A_260 : vector<256x4096xi32>
    %jit3A_262 = arith.constant 0 : i32
    %broadcast_in_dim3A_263 = vector.broadcast %jit3A_262 : i32 to vector<256x4096xi32>
    %select_n3A_264 = arith.select %eq3A_261, %broadcast_in_dim3A_263, %select_n3A_247 : vector<256x4096xi1>, vector<256x4096xi32>
    %and3A_265 = arith.constant 4095 : i32
    %and3A_266 = vector.broadcast %and3A_265 : i32 to vector<256x1xi32>
    %and3A_267 = arith.andi %broadcast_in_dim3A_259, %and3A_266 : vector<256x1xi32>
    %sub3A_268 = arith.constant 4095 : i32
    %sub3A_269 = vector.broadcast %sub3A_268 : i32 to vector<256x1xi32>
    %sub3A_270 = arith.subi %sub3A_269, %and3A_267 : vector<256x1xi32>
    %swap3A_271 = arith.constant 0 : index
    %swap3A_272 = arith.constant 12 : index
    %swap3A_273 = vector.load %arg3[%swap3A_271, %swap3A_272] : memref<256x16xi32, #tpu.memory_space<vmem>>, vector<256x1xi32>
    tpu.vector_store %arg3[%swap3A_271, %swap3A_272], %sub3A_270 {strides = array<i32>} : memref<256x16xi32, #tpu.memory_space<vmem>>, vector<256x1xi32>,
    %reduce_max3A_274 = arith.constant dense<-2147483648> : vector<256xi32>
    %reduce_max3A_275 = vector.multi_reduction <maxsi>, %select_n3A_264, %reduce_max3A_274 [1] : vector<256x4096xi32> to vector<256xi32>
    %broadcast_in_dim3A_276 = vector.shape_cast %reduce_max3A_275 : vector<256xi32> to vector<256x1xi32>
    %eq3A_277 = vector.broadcast %broadcast_in_dim3A_276 : vector<256x1xi32> to vector<256x4096xi32>
    %eq3A_278 = arith.cmpi eq, %select_n3A_264, %eq3A_277 : vector<256x4096xi32>
    %jit3A_279 = arith.constant 0 : i32
    %broadcast_in_dim3A_280 = vector.broadcast %jit3A_279 : i32 to vector<256x4096xi32>
    %select_n3A_281 = arith.select %eq3A_278, %broadcast_in_dim3A_280, %select_n3A_264 : vector<256x4096xi1>, vector<256x4096xi32>
    %and3A_282 = arith.constant 4095 : i32
    %and3A_283 = vector.broadcast %and3A_282 : i32 to vector<256x1xi32>
    %and3A_284 = arith.andi %broadcast_in_dim3A_276, %and3A_283 : vector<256x1xi32>
    %sub3A_285 = arith.constant 4095 : i32
    %sub3A_286 = vector.broadcast %sub3A_285 : i32 to vector<256x1xi32>
    %sub3A_287 = arith.subi %sub3A_286, %and3A_284 : vector<256x1xi32>
    %swap3A_288 = arith.constant 0 : index
    %swap3A_289 = arith.constant 13 : index
    %swap3A_290 = vector.load %arg3[%swap3A_288, %swap3A_289] : memref<256x16xi32, #tpu.memory_space<vmem>>, vector<256x1xi32>
    tpu.vector_store %arg3[%swap3A_288, %swap3A_289], %sub3A_287 {strides = array<i32>} : memref<256x16xi32, #tpu.memory_space<vmem>>, vector<256x1xi32>,
    %reduce_max3A_291 = arith.constant dense<-2147483648> : vector<256xi32>
    %reduce_max3A_292 = vector.multi_reduction <maxsi>, %select_n3A_281, %reduce_max3A_291 [1] : vector<256x4096xi32> to vector<256xi32>
    %broadcast_in_dim3A_293 = vector.shape_cast %reduce_max3A_292 : vector<256xi32> to vector<256x1xi32>
    %and3A_294 = arith.constant 4095 : i32
    %and3A_295 = vector.broadcast %and3A_294 : i32 to vector<256x1xi32>
    %and3A_296 = arith.andi %broadcast_in_dim3A_293, %and3A_295 : vector<256x1xi32>
    %sub3A_297 = arith.constant 4095 : i32
    %sub3A_298 = vector.broadcast %sub3A_297 : i32 to vector<256x1xi32>
    %sub3A_299 = arith.subi %sub3A_298, %and3A_296 : vector<256x1xi32>
    %swap3A_300 = arith.constant 0 : index
    %swap3A_301 = arith.constant 14 : index
    %swap3A_302 = vector.load %arg3[%swap3A_300, %swap3A_301] : memref<256x16xi32, #tpu.memory_space<vmem>>, vector<256x1xi32>
    tpu.vector_store %arg3[%swap3A_300, %swap3A_301], %sub3A_299 {strides = array<i32>} : memref<256x16xi32, #tpu.memory_space<vmem>>, vector<256x1xi32>,
    %broadcast_in_dim3A_303 = arith.constant 0 : i32
    %broadcast_in_dim3A_304 = vector.broadcast %broadcast_in_dim3A_303 : i32 to vector<256x1xi32>
    %swap3A_305 = arith.constant 0 : index
    %swap3A_306 = arith.constant 15 : index
    %swap3A_307 = vector.load %arg3[%swap3A_305, %swap3A_306] : memref<256x16xi32, #tpu.memory_space<vmem>>, vector<256x1xi32>
    tpu.vector_store %arg3[%swap3A_305, %swap3A_306], %broadcast_in_dim3A_304 {strides = array<i32>} : memref<256x16xi32, #tpu.memory_space<vmem>>, vector<256x1xi32>,
    return
  }
  func.func @transform_0(%arg0: i32) -> (i32, i32) {
    %c0_i32 = arith.constant 0 : i32
    %c0_i32_0 = arith.constant 0 : i32
    return %arg0, %c0_i32 : i32, i32
  }
  func.func @transform_1(%arg0: i32) -> (i32, i32) {
    %c0_i32 = arith.constant 0 : i32
    %c0_i32_0 = arith.constant 0 : i32
    %c0_i32_1 = arith.constant 0 : i32
    return %c0_i32, %c0_i32_0 : i32, i32
  }
  func.func @transform_2(%arg0: i32) -> (i32, i32) {
    %c0_i32 = arith.constant 0 : i32
    %c0_i32_0 = arith.constant 0 : i32
    return %arg0, %c0_i32 : i32, i32
  }
}

</mosaic_0001>

<sc_bundles>
// kernel: _run.4.cloned.1.call-start
scs
__scs_entry_jumppad:
0x0: {  	(pc) =	sbr.rel $0x88, $3  }
0x1: {  	(tag) =	ssettag $0x0;
	lr =	simm.s32 $0x1  }
0x2: {  	[smem:$0x3FA0] =	sst lr;
	_ =	strace $0xD0000000  }
0x3: {  	_ = 	snop  }
0x4: {  	_ = 	snop  }
0x5: {  	_ = 	snop  }
0x6: {  	_ = 	snop  }
0x7: {  	_ = 	snop  }
__scs_overlays_trampoline_lowered:
0x8: {  	[smem:$0x3FAF] =	sst s0  }
0x9: {  	[smem:$0x3FB0] =	sst s1  }
0xa: {  	[smem:$0x3FB1] =	sst s2  }
0xb: {  	[smem:$0x3FB2] =	sst s3  }
0xc: {  	[smem:$0x3FB3] =	sst s4  }
0xd: {  	[smem:$0x3FB4] =	sst s5  }
0xe: {  	[smem:$0x3FB5] =	sst s6  }
0xf: {  	[smem:$0x3FB6] =	sst s7  }
0x10: {  	[smem:$0x3FB7] =	sst s8  }
0x11: {  	[smem:$0x3FB8] =	sst s9;
	s0 =	simm.s32 @!p0 $0x0  }
0x12: {  	s1 =	sld [smem:$0x3F9E];
	s0 =	simm.s32 @p0 $0x1  }
0x13: {  	[smem:$0x3FB9] =	sst s0;
	s0 =	simm.s32 @!p1 $0x0  }
0x14: {  	s2 =	sld [smem:$0x3F9D];
	s0 =	simm.s32 @p1 $0x1  }
0x15: {  	[smem:$0x3FBA] =	sst s0;
	s0 =	simm.s32 @!p2 $0x0  }
0x16: {  	s3 =	sld [smem:$0x3FDB];
	s0 =	simm.s32 @p2 $0x1  }
0x17: {  	s4 =	simm.s32 $0x1BF5;
	[smem:$0x3FBC] =	sst s0  }
0x18: {  	s0 =	sld [smem:$0x3F9F];
	_ =	swait.ge [sflag:s4], $0x0  }
0x19: {  	s7 =	sld [smem:$0x3FA0]  }
0x1a: {  	s8 =	sadd.s32 $0xFFFFE003, lr  }
0x1b: {  	s9 =	sadd.s32 $0xFFFFFEF7, lr;
	s5 =	simm.s32 $0xFFFFFFFF;
	p2 =	slt.u32 s8, $0xFFFFF086  }
0x1c: {  	p1 =	slt.u32 s9, $0xF7A;
	s5 =	simm.s32 @!p2 $0x0  }
0x1d: {  	s5 =	simm.s32 @p1 $0x1;
	p0 =	seq.s32 s7, s2  }
0x1e: {  	s7 =	smul.u32 @!p0 $0xF7A, s2;
	p2 =	seq.s32 @!p0 s5, $0x0  }
0x1f: {  	s9 =	smul.u32 $0xF7A, s1;
	s8 =	simm.s32 @!p0 $0x1BF5;
	p2 =	por !p2, p0  }
0x20: {  	[sflag:s8] =	ssyncset.s32 @!p0 $0xFFFFF086;
	s6 =	sadd.s32 @!p0 s3, s7;
	s7 =	simm.s32 @!p0 $0x108  }
0x21: {  	s3 =	sadd.s32 s3, s9;
	s6 =	sadd.s32 @!p0 $0x88, s6;
	s7 =	simm.s32 @p2 $0x1082  }
0x22: {  	[simem:s7], [sflag:s8] =	dma.local @!p0 [hbm:s6], $0xF7A  }
0x23: {  	s9 =	sor.u32 $0xD0000000, s2;
	s6 =	simm.s32 $0x108;
	_ =	swait.ge @!p0 [sflag:s8], $0x0  }
0x24: {  	s3 =	sadd.s32 $0x88, s3;
	s6 =	simm.s32 @!p1 $0x1082;
	[sflag:s4] =	ssyncset.s32 $0xFFFFF086  }
0x25: {  	[simem:s6], [sflag:s4] =	dma.local [hbm:s3], $0xF7A  }
0x26: {  	[smem:$0x3FA0] =	sst s1;
	(tag) =	ssettag s2;
	_ =	strace s9  }
0x27: {  	s1 =	sld [smem:$0x3FB0]  }
0x28: {  	s2 =	sld [smem:$0x3FB1]  }
0x29: {  	s4 =	sld [smem:$0x3FB3]  }
0x2a: {  	p0 =	seq.s32 s5, $0x0;
	s5 =	sld [smem:$0x3FB4]  }
0x2b: {  	s6 =	sld [smem:$0x3FB5]  }
0x2c: {  	s7 =	sld [smem:$0x3FB6]  }
0x2d: {  	s3 =	simm.s32 $0x108;
	s8 =	sld [smem:$0x3FB7]  }
0x2e: {  	s3 =	simm.s32 @!p0 $0x1082;
	s9 =	sld [smem:$0x3FB8]  }
0x2f: {  	lr =	sadd.s32 s0, s3;
	s0 =	sld [smem:$0x3FAF]  }
0x30: {  	s3 =	sld [smem:$0x3FB2]  }
0x31: {  	[smem:$0x3FBB] =	sst s10  }
0x32: {  	s10 =	sld [smem:$0x3FB9];
	_ =	sdelay $0x3  }
0x33: {  	p0 =	seq.s32 s10, $0x1;
	s10 =	sld [smem:$0x3FBB];
	_ =	sdelay $0x3  }
0x34: {  	[smem:$0x3FBB] =	sst s10  }
0x35: {  	s10 =	sld [smem:$0x3FBA];
	_ =	sdelay $0x3  }
0x36: {  	p1 =	seq.s32 s10, $0x1;
	s10 =	sld [smem:$0x3FBB];
	_ =	sdelay $0x3  }
0x37: {  	[smem:$0x3FBB] =	sst s10  }
0x38: {  	s10 =	sld [smem:$0x3FBC]  }
0x39: {  	_ = 	snop;
	(pc) =	sbr.ind lr, $3  }
0x3a: {  	_ = 	snop  }
0x3b: {  	_ = 	snop  }
0x3c: {  	p2 =	seq.s32 s10, $0x1;
	s10 =	sld [smem:$0x3FBB]  }
0x3d: {  	_ =	shalt  }
0x3e: {  	_ =	shalt  }
0x3f: {  	_ =	shalt  }
0x40: {  	_ =	shalt  }
0x41: {  	_ =	shalt  }
0x42: {  	_ =	shalt  }
0x43: {  	_ =	shalt  }
0x44: {  	_ =	shalt  }
0x45: {  	_ =	shalt  }
0x46: {  	_ =	shalt  }
0x47: {  	_ =	shalt  }
0x48: {  	_ =	shalt  }
0x49: {  	_ =	shalt  }
0x4a: {  	_ =	shalt  }
0x4b: {  	_ =	shalt  }
0x4c: {  	_ =	shalt  }
0x4d: {  	_ =	shalt  }
0x4e: {  	_ =	shalt  }
0x4f: {  	_ =	shalt  }
0x50: {  	_ =	shalt  }
0x51: {  	_ =	shalt  }
0x52: {  	_ =	shalt  }
0x53: {  	_ =	shalt  }
0x54: {  	_ =	shalt  }
0x55: {  	_ =	shalt  }
0x56: {  	_ =	shalt  }
0x57: {  	_ =	shalt  }
0x58: {  	_ =	shalt  }
0x59: {  	_ =	shalt  }
0x5a: {  	_ =	shalt  }
0x5b: {  	_ =	shalt  }
0x5c: {  	_ =	shalt  }
0x5d: {  	_ =	shalt  }
0x5e: {  	_ =	shalt  }
0x5f: {  	_ =	shalt  }
0x60: {  	_ =	shalt  }
0x61: {  	_ =	shalt  }
0x62: {  	_ =	shalt  }
0x63: {  	_ =	shalt  }
0x64: {  	_ =	shalt  }
0x65: {  	_ =	shalt  }
0x66: {  	_ =	shalt  }
0x67: {  	_ =	shalt  }
0x68: {  	_ =	shalt  }
0x69: {  	_ =	shalt  }
0x6a: {  	_ =	shalt  }
0x6b: {  	_ =	shalt  }
0x6c: {  	_ =	shalt  }
0x6d: {  	_ =	shalt  }
0x6e: {  	_ =	shalt  }
0x6f: {  	_ =	shalt  }
0x70: {  	_ =	shalt  }
0x71: {  	_ =	shalt  }
0x72: {  	_ =	shalt  }
0x73: {  	_ =	shalt  }
0x74: {  	_ =	shalt  }
0x75: {  	_ =	shalt  }
0x76: {  	_ =	shalt  }
0x77: {  	_ =	shalt  }
0x78: {  	_ =	shalt  }
0x79: {  	_ =	shalt  }
0x7a: {  	_ =	shalt  }
0x7b: {  	_ =	shalt  }
0x7c: {  	_ =	shalt  }
0x7d: {  	_ =	shalt  }
0x7e: {  	_ =	shalt  }
0x7f: {  	_ =	shalt  }
0x80: {  	_ =	shalt  }
0x81: {  	_ =	shalt  }
0x82: {  	_ =	shalt  }
0x83: {  	_ =	shalt  }
0x84: {  	_ =	shalt  }
0x85: {  	_ =	shalt  }
0x86: {  	_ =	shalt  }
0x87: {  	_ =	shalt  }
.Lfunc_end0:
.L_simem_size_0:
called_computation_lowered:
.L_overlay_start_0:
0x88: {  	s2 =	sld [smem:$0x3FD9]  }
0x89: {  	s3 =	sld [smem:$0x3FFE];
	_ =	sdelay $0x1  }
0x8a: {  	s1 =	srdreg.scid  }
0x8b: {  	s0 =	sand.u32 $0x1, s1  }
0x8c: {  	s17 =	sshll.u32 s0, $0xA;
	s2 =	sadd.s32 s3, s2  }
0x8d: {  	s2 =	sadd.s32 s2, s17  }
0x8e: {  	[smem:$0x3FC7] =	sst s2  }
0x8f: {  	_ = 	snop  }
0x90: {  	s2 =	sld [smem:$0x3FD0];
	(tm) =	ssettm $0x1  }
0x91: {  	s18 =	sld [smem:$0x3FFB];
	_ =	sdelay $0x3  }
0x92: {  	_ =	strace s18  }
0x93: {  	s3 =	sld [smem:$0x3FFC];
	_ =	sdelay $0x3  }
0x94: {  	_ =	strace s3  }
0x95: {  	s3 =	sld [smem:$0x3FFD];
	_ =	sdelay $0x3  }
0x96: {  	_ =	strace s3  }
0x97: {  	_ =	strace $0x8FFFFFFF  }
0x98: {  	s19 =	sld [smem:$0x3FDB];
	_ =	sdelay $0x1  }
0x99: {  	s4 =	simm.s32 $_scs_section_size  }
0x9a: {  	s5 =	simm.s32 $_size__tile_overlayer_lowered;
	s6 =	simm.s32 $_tile_overlayer_lowered  }
0x9b: {  	s22 =	simm.s32 $0x1BFF;
	s21 =	sshll.u32 s6, $0x1;
	s3 =	sadd.s32 s4, s19  }
0x9c: {  	s7 =	simm.s32 $0x0;
	s20 =	sshll.u32 s5, $0x1;
	s5 =	sadd.s32 s21, s3  }
0x9d: {  	[timem:s7], [sflag:s22] =	dma.local [hbm:s5], s20  }
0x9e: {  	_ =	swait.ge [sflag:s22], s20  }
0x9f: {  	s4 =	ssub.s32 $0x0, s20;
	[sflag:s22] =	ssyncset.done $0x0  }
0xa0: {  	[sflag:s22] =	ssyncadd.s32 s4;
	_ =	sdelay $0x1  }
0xa1: {  	s23 =	simm.s32 $0x1B8B  }
0xa2: {  	_ =	swait.ge [sflag:s23], $0x1  }
0xa3: {  	[sflag:s23] =	ssyncset.done $0x0  }
0xa4: {  	s25 =	simm.s32 $0x1B8E;
	s24 =	sld [smem:$0x3FFE];
	[sflag:s23] =	ssyncadd.s32 $0xFFFFFFFF  }
0xa5: {  	s26 =	simm.s32 $execute0_lowered;
	[smem:$0x3FD2] =	sst s25  }
0xa6: {  	s5 =	sshll.u32 s26, $0x1;
	_ =	strace $0x80000046;
	[dreg:$0x1] =	wrdreg $0xFFFFFFFF  }
0xa7: {  	s28 =	simm.s32 $_size_execute0_lowered;
	s3 =	sadd.s32 s3, s5;
	[dreg:$0x0] =	wrdreg $0x0  }
0xa8: {  	s5 =	sshll.u32 s28, $0x1;
	[dreg:$0x2] =	wrdreg s3  }
0xa9: {  	[dreg:$0x3] =	wrdreg s5  }
0xaa: {  	[dreg:$0x4] =	wrdreg $0xC0  }
0xab: {  	_ =	task [dreg:s7], $0x5FFFF  }
0xac: {  	[dreg:$0x1] =	wrdreg $0xFFFFFFFF  }
0xad: {  	[dreg:$0x0] =	wrdreg $0x60  }
0xae: {  	[dreg:$0x2] =	wrdreg s24  }
0xaf: {  	[dreg:$0x3] =	wrdreg s2  }
0xb0: {  	[dreg:$0x4] =	wrdreg $0x9  }
0xb1: {  	_ =	task.clear_ibuf [dreg:s7], $0x5FFFF;
	_ =	strace $0x90000046  }
0xb2: {  	s29 =	simm.s32 $0x9;
	_ =	strace $0x80000048  }
0xb3: {  	_ =	swait.ge [sflag:s29], $0x1  }
0xb4: {  	[sflag:s29] =	ssyncadd.s32 $0xFFFFFFFF  }
0xb5: {  	_ =	strace $0x90000048  }
0xb6: {  	_ =	sfence  }
0xb7: {  	s30 =	sld [smem:$0x0];
	_ =	sdelay $0x2  }
0xb8: {  	s31 =	sshll.u32 s1, $0xD;
	s1 =	sshrl.u32 s1, $0x2  }
0xb9: {  	s3 =	sand.u32 $0x4000, s31;
	s1 =	sadd.s32 s1, s30  }
0xba: {  	s0 =	sor.u32 s3, s0;
	s1 =	sshll.u32 s1, $0x11  }
0xbb: {  	s0 =	sor.u32 s1, s0  }
0xbc: {  	s0 =	sadd.s32 $0x8F2B, s0  }
0xbd: {  	[sflag:s0] =	ssyncadd.remote.s32 $0x1  }
0xbe: {  	_ =	sfence.sel $0xFFFF  }
0xbf: {  	[dreg:$0x0] =	wrdreg $0xFFFFFFFF;
	(pc) =	sbr.abs _section_cstart, $3  }
0xc0: {  	[dreg:$0x1] =	wrdreg $0xFFFFFFFF  }
0xc1: {  	_ =	task.clear_ibuf [dreg:s7], $0x2FFFF;
	_ =	strace $0x9FFFFFFF  }
0xc2: {  	(tm) =	ssettm $0x7FFFFFFF  }
0xc3: {  	_ =	shalt  }
tec
execute0_lowered:
.L_overlay_start_1:
0x0: {  	(tag) =	ssettag $0x1  }
0x1: {  	s7 =	rddreg [dreg:$0x0]  }
0x2: {  	s8 =	rddreg [dreg:$0x1]  }
0x3: {  	s0 =	rddreg [dreg:$0x2];
	s1 =	simm.s32 $0x0  }
0x4: {  	s6 =	srdreg.scid;
	s2 =	stileid.u32;
	s14 =	simm.s32 $0x2000  }
0x5: {  	s15 =	simm.s32 $0x3000;
	s16 =	simm.s32 $0x3800;
	s17 =	simm.s32 $0x0  }
0x6: {  	[smem:$0x7FF] =	sst s1;
	s3 =	sadd.s32 $0xA00, s7;
	s4 =	sadd.s32 $0x800, s7  }
0x7: {  	s5 =	sadd.s32 $0x600, s7;
	s9 =	sand.u32 $0x1, s6;
	s10 =	sshll.u32 s2, $0x1  }
0x8: {  	s6 =	sadd.s32 $0xC00, s7;
	s30 =	sshll.u32 s2, $0x8;
	_ =	strace $0x80000047  }
0x9: {  	s10 =	sor.u32 s9, s10;
	s11 =	ssub.s32 $0x2, s9;
	s31 =	sshll.u32 s9, $0x7  }
0xa: {  	s12 =	sshll.u32 s10, $0xC;
	s13 =	sshrl.u32 s11, $0x1;
	s10 =	sshll.u32 s10, $0x8  }
0xb: {  	s12 =	sadd.s32 s12, s7;
	s11 =	ssub.s32 s11, s13;
	s7 =	sadd.s32 s8, s10  }
0xc: {  	s10 =	sor.u32 s31, s30;
	s13 =	simm.s32 $0x1000;
	s8 =	sadd.s32 $0xE00, s12  }
0xd: {  	s9 =	smax.u32 s11, $0x1;
	s11 =	simm.s32 $0xB800;
	s12 =	simm.s32 $0x1  }
.LBB2_1:
0xe: {  	[tilespmem:s11], [sflag:$0x1] =	stream.linear.gather [hbm4b:s6+s1], $0x1, $0x38;
	[tilespmem:$0xB880] =	vst v63  }
0xf: {  	_ =	swait.ge [sflag:s12], $0x1  }
0x10: {  	[sflag:s12] =	ssyncset.done $0x0  }
0x11: {  	[sflag:s12] =	ssyncadd.s32 $0xFFFFFFFF  }
0x12: {  	v0 =	vld.msk [tilespmem:$0xB800 ss:$0x0], $0xffff;
	[tilespmem:s1], [sflag:$0x1] =	stream.linear.gather [hbm4b:s3+s1], $0x1000, $0x38  }
0x13: {  	_ =	swait.ge [sflag:s12], $0x1000  }
0x14: {  	[sflag:s12] =	ssyncset.done $0x0  }
0x15: {  	[sflag:s12] =	ssyncadd.s32 $0xFFFFF000  }
0x16: {  	[tilespmem:s13], [sflag:$0x1] =	stream.linear.gather [hbm4b:s4+s1], $0x1000, $0x38;
	[tilespmem:$0xB880] =	vst v63  }
0x17: {  	_ =	swait.ge [sflag:s12], $0x1000  }
0x18: {  	[sflag:s12] =	ssyncset.done $0x0  }
0x19: {  	[sflag:s12] =	ssyncadd.s32 $0xFFFFF000  }
0x1a: {  	[tilespmem:s14], [sflag:$0x1] =	stream.linear.gather [hbm4b:s5+s1], $0x1000, $0x38;
	[tilespmem:$0xB880] =	vst v63  }
0x1b: {  	_ =	swait.ge [sflag:s12], $0x1000  }
0x1c: {  	[sflag:s12] =	ssyncset.done $0x0  }
0x1d: {  	[sflag:s12] =	ssyncadd.s32 $0xFFFFF000  }
0x1e: {  	[tilespmem:s15], [sflag:$0x1] =	stream.linear.gather [hbm4b:s7+s1], $0x800, $0x38;
	[tilespmem:$0xB880] =	vst v63  }
0x1f: {  	_ =	swait.ge [sflag:s12], $0x800  }
0x20: {  	[sflag:s12] =	ssyncset.done $0x0  }
0x21: {  	s18 =	simm.s32 $0x0;
	[sflag:s12] =	ssyncadd.s32 $0xFFFFF800  }
0x22: {  	v2 =	vmov s10;
	v1 =	vld [tilespmem:s18+$0x3000];
	_ =	sdelay $0x4  }
0x23: {  	v3 =	vld.idx.msk [tilespmem:v2+s13+$0x0], $0xffff  }
0x24: {  	v4 =	vld.idx.msk [tilespmem:v2+s1+$0x0], $0xffff  }
0x25: {  	v2 =	vld.idx.msk [tilespmem:v2+s14+$0x0], $0xffff  }
0x26: {  	v5 =	vld.idx.msk [tilespmem:v1+s1+$0x0], $0xffff  }
0x27: {  	v6 =	vld.idx.msk [tilespmem:v1+s13+$0x0], $0xffff  }
0x28: {  	v1 =	vld.idx.msk [tilespmem:v1+s14+$0x0], $0xffff;
	_ =	sdelay $0x3  }
0x29: {  	v4 =	vsub.f32 v4, v5;
	v3 =	vsub.f32 v3, v6  }
0x2a: {  	v1 =	vsub.f32 v2, v1  }
0x2b: {  	v4 =	vadd.f32 $9.999999970e-07, v4;
	v3 =	vadd.f32 $9.999999970e-07, v3;
	_ =	sdelay $0x1  }
0x2c: {  	v1 =	vadd.f32 $9.999999970e-07, v1;
	v2 =	vmul.f32 v4, v4;
	v3 =	vmul.f32 v3, v3;
	_ =	sdelay $0x1  }
0x2d: {  	v1 =	vmul.f32 v1, v1;
	v2 =	vadd.f32 v3, v2;
	_ =	sdelay $0x1  }
0x2e: {  	v1 =	vadd.f32 v1, v2;
	_ =	sdelay $0x1  }
0x2f: {  	v2 =	vshrl.u32 v1, $0x1  }
0x30: {  	v2 =	vadd.s32 $0x1FBD1DF5, v2  }
0x31: {  	(erf) = vrcp.f32 v2;
	_ =	sdelay $0x8  }
0x32: {  	v3 =	vpop (erf)  }
0x33: {  	v3 =	vmul.f32 v3, v1;
	_ =	sdelay $0x1  }
0x34: {  	v2 =	vadd.f32 v2, v3;
	_ =	sdelay $0x1  }
0x35: {  	v2 =	vmul.f32 $5.000000000e-01, v2;
	_ =	sdelay $0x1  }
0x36: {  	(erf) = vrcp.f32 v2;
	_ =	sdelay $0x8  }
0x37: {  	v3 =	vpop (erf)  }
0x38: {  	v3 =	vmul.f32 v3, v1;
	_ =	sdelay $0x1  }
0x39: {  	v2 =	vadd.f32 v3, v2;
	_ =	sdelay $0x1  }
0x3a: {  	v2 =	vmul.f32 $5.000000000e-01, v2;
	_ =	sdelay $0x1  }
0x3b: {  	(erf) = vrcp.f32 v2;
	_ =	sdelay $0x8  }
0x3c: {  	v3 =	vpop (erf)  }
0x3d: {  	v3 =	vmul.f32 v3, v1;
	_ =	sdelay $0x1  }
0x3e: {  	v2 =	vadd.f32 v3, v2;
	_ =	sdelay $0x1  }
0x3f: {  	v2 =	vmul.f32 $5.000000000e-01, v2;
	_ =	sdelay $0x1  }
0x40: {  	(erf) = vrcp.f32 v2;
	_ =	sdelay $0x8  }
0x41: {  	v3 =	vpop (erf)  }
0x42: {  	v1 =	vmul.f32 v3, v1;
	_ =	sdelay $0x1  }
0x43: {  	v1 =	vadd.f32 v1, v2;
	_ =	sdelay $0x1  }
0x44: {  	v5 =	vmul.f32 $5.000000000e-01, v1;
	_ =	sdelay $0x1  }
0x45: {  	v7 =	vadd.f32 $-1.333333370e+00, v5  }
0x46: {  	v1 =	vadd.f32 $-8.000000000e+00, v5;
	v3 =	vadd.f32 $-2.666666750e+00, v5  }
0x47: {  	v9 =	vadd.f32 $-4.000000000e+00, v5;
	v4 =	vadd.f32 $-5.333333490e+00, v5  }
0x48: {  	v2 =	vmul.f32 v5, v5;
	v6 =	vadd.f32 $-6.666666510e+00, v5;
	v8 =	vadd.f32 $-9.333333010e+00, v5  }
0x49: {  	v10 =	vadd.f32 $-1.066666700e+01, v5;
	v12 =	vadd.f32 $-1.333333300e+01, v5;
	v3 =	vmul.f32 v3, v3  }
0x4a: {  	v1 =	vmul.f32 v1, v1;
	v11 =	vmul.f32 v6, v6;
	v6 =	vadd.f32 $-1.200000000e+01, v5  }
0x4b: {  	v8 =	vmul.f32 v8, v8;
	v10 =	vmul.f32 v10, v10;
	v3 =	vsub.f32 $0.0e+00, v3  }
0x4c: {  	v15 =	vadd.f32 $-1.466666700e+01, v5;
	v1 =	vsub.f32 $0.0e+00, v1;
	v13 =	vmul.f32 v6, v6  }
0x4d: {  	v6 =	vmul.f32 v3, v0;
	v3 =	vsub.f32 $0.0e+00, v8;
	v8 =	vsub.f32 $0.0e+00, v10  }
0x4e: {  	v12 =	vmul.f32 v12, v12;
	v11 =	vsub.f32 $0.0e+00, v11;
	v10 =	vmul.f32 v1, v0  }
0x4f: {  	v1 =	vsub.f32 $0.0e+00, v13;
	v13 =	vmul.f32 v3, v0;
	v8 =	vmul.f32 v8, v0  }
0x50: {  	s19 =	simm.s32 $0x3880;
	v14 =	vsub.f32 $0.0e+00, v12;
	v3 =	vmul.f32 v9, v9;
	v9 =	vmul.f32 v11, v0  }
0x51: {  	s20 =	simm.s32 $0x40;
	s21 =	smov.u32 s10;
	s18 =	simm.s32 $0x3880;
	v12 =	vadd.f32 $-1.600000000e+01, v5;
	v11 =	vmul.f32 v15, v15;
	v13 =	vmul.f32 $1.442695020e+00, v13  }
.LBB2_2:
0x52: {  	p0 =	sne.s32 s20, $0x1FC0;
	v7 =	vmul.f32 v7, v7;
	v14 =	vmul.f32 v14, v0;
	v15 =	vadd.f32 $-1.733333400e+01, v5;
	s21 =	sadd.s32 $0x1, s21;
	s19 =	sadd.s32 $0x100, s19  }
0x53: {  	v10 =	vmul.f32 $1.442695020e+00, v10;
	v16 =	vadd.f32 $-1.866666600e+01, v5;
	s22 =	smov.u32 s20;
	s20 =	sadd.s32 $0x40, s20;
	(erf) = vpow2.f32 v13  }
0x54: {  	v5 =	vadd.f32 $-2.000000000e+01, v5;
	v13 =	vmul.f32 $1.442695020e+00, v14;
	v14 =	vmul.f32 v15, v15  }
0x55: {  	v7 =	vsub.f32 $0.0e+00, v7;
	v15 =	vmul.f32 v16, v16;
	(erf) = vpow2.f32 v10  }
0x56: {  	v10 =	vsub.f32 $0.0e+00, v11;
	v11 =	vmul.f32 v12, v12;
	(erf) = vpow2.f32 v13  }
0x57: {  	v9 =	vmul.f32 $1.442695020e+00, v9;
	v8 =	vmul.f32 $1.442695020e+00, v8;
	v12 =	vsub.f32 $0.0e+00, v15  }
0x58: {  	v4 =	vmul.f32 v4, v4;
	v10 =	vmul.f32 v10, v0;
	v11 =	vsub.f32 $0.0e+00, v11  }
0x59: {  	v6 =	vmul.f32 $1.442695020e+00, v6;
	v14 =	vsub.f32 $0.0e+00, v14;
	(erf) = vpow2.f32 v9  }
0x5a: {  	v4 =	vsub.f32 $0.0e+00, v4;
	v9 =	vmul.f32 $1.442695020e+00, v10;
	v10 =	vmul.f32 v11, v0  }
0x5b: {  	v2 =	vsub.f32 $0.0e+00, v2;
	v5 =	vmul.f32 v5, v5;
	v11 =	vmul.f32 v14, v0  }
0x5c: {  	v4 =	vmul.f32 v4, v0;
	v10 =	vmul.f32 $1.442695020e+00, v10;
	v13 =	vpop (erf)  }
0x5d: {  	v2 =	vmul.f32 v2, v0;
	v5 =	vsub.f32 $0.0e+00, v5;
	v11 =	vmul.f32 $1.442695020e+00, v11;
	[tilespmem:s18+$0xFFFFFFF0] =	vst v13  }
0x5e: {  	v4 =	vmul.f32 $1.442695020e+00, v4;
	v12 =	vmul.f32 v12, v0;
	v13 =	vpop (erf)  }
0x5f: {  	v5 =	vmul.f32 v5, v0;
	[tilespmem:s18+$0xFFFFFFE0] =	vst v13;
	(erf) = vpow2.f32 v6;
	v6 =	vpop (erf)  }
0x60: {  	[tilespmem:s18+$0x20] =	vst v6;
	v6 =	vmul.f32 $1.442695020e+00, v12;
	(erf) = vpow2.f32 v4  }
0x61: {  	v4 =	vmul.f32 $1.442695020e+00, v5;
	(erf) = vpow2.f32 v8  }
0x62: {  	v5 =	vmul.f32 v7, v0;
	v7 =	vpop (erf);
	(erf) = vpow2.f32 v6  }
0x63: {  	v2 =	vmul.f32 $1.442695020e+00, v2;
	[tilespmem:s18+$0xFFFFFFD0] =	vst v7;
	(erf) = vpow2.f32 v4  }
0x64: {  	v3 =	vsub.f32 $0.0e+00, v3;
	v4 =	vmul.f32 $1.442695020e+00, v5;
	(erf) = vpow2.f32 v9  }
0x65: {  	(erf) = vpow2.f32 v11  }
0x66: {  	v1 =	vmul.f32 v1, v0;
	v5 =	vmul.f32 v3, v0  }
0x67: {  	(erf) = vpow2.f32 v10  }
0x68: {  	v6 =	vmul.f32 $1.442695020e+00, v1;
	(erf) = vpow2.f32 v2;
	v2 =	vpop (erf)  }
0x69: {  	[tilespmem:s18+$0xFFFFFFA0] =	vst v2;
	v2 =	vmul.f32 $1.442695020e+00, v5;
	(erf) = vpow2.f32 v4;
	v3 =	vpop (erf)  }
0x6a: {  	[tilespmem:s18+$0xFFFFFFC0] =	vst v3;
	v3 =	vpop (erf);
	(erf) = vpow2.f32 v6  }
0x6b: {  	[tilespmem:s18+$0x0] =	vst v3;
	(erf) = vpow2.f32 v2;
	v1 =	vpop (erf)  }
0x6c: {  	[tilespmem:s18+$0x60] =	vst v1;
	v1 =	vpop (erf)  }
0x6d: {  	[tilespmem:s18+$0x70] =	vst v1;
	v1 =	vpop (erf)  }
0x6e: {  	s22 =	sshra.s32 s22, $0x2;
	[tilespmem:s18+$0x30] =	vst v1;
	v1 =	vpop (erf)  }
0x6f: {  	v2 =	vmov s21;
	[tilespmem:s18+$0x50] =	vst v1  }
0x70: {  	v1 =	vpop (erf)  }
0x71: {  	[tilespmem:s18+$0x40] =	vst v1;
	v1 =	vpop (erf)  }
0x72: {  	[tilespmem:s18+$0xFFFFFF80] =	vst v1;
	v1 =	vpop (erf)  }
0x73: {  	[tilespmem:s18+$0xFFFFFF90] =	vst v1;
	v1 =	vpop (erf)  }
0x74: {  	[tilespmem:s18+$0x10] =	vst v1;
	v1 =	vpop (erf)  }
0x75: {  	[tilespmem:s18+$0xFFFFFFB0] =	vst v1;
	s18 =	smov.u32 s19  }
0x76: {  	v1 =	vld [tilespmem:s22+$0x3000];
	_ =	sdelay $0x4  }
0x77: {  	v3 =	vld.idx.msk [tilespmem:v2+s13+$0x0], $0xffff  }
0x78: {  	v4 =	vld.idx.msk [tilespmem:v2+s1+$0x0], $0xffff;
	_ =	sdelay $0x1  }
0x79: {  	v5 =	vld.idx.msk [tilespmem:v1+s1+$0x0], $0xffff  }
0x7a: {  	v6 =	vld.idx.msk [tilespmem:v1+s13+$0x0], $0xffff  }
0x7b: {  	v2 =	vld.idx.msk [tilespmem:v2+s14+$0x0], $0xffff  }
0x7c: {  	v1 =	vld.idx.msk [tilespmem:v1+s14+$0x0], $0xffff;
	_ =	sdelay $0x2  }
0x7d: {  	v4 =	vsub.f32 v4, v5  }
0x7e: {  	v3 =	vsub.f32 v3, v6  }
0x7f: {  	v4 =	vadd.f32 $9.999999970e-07, v4  }
0x80: {  	v3 =	vadd.f32 $9.999999970e-07, v3;
	v1 =	vsub.f32 v2, v1;
	_ =	sdelay $0x1  }
0x81: {  	v2 =	vmul.f32 v4, v4;
	v1 =	vadd.f32 $9.999999970e-07, v1;
	v3 =	vmul.f32 v3, v3;
	_ =	sdelay $0x1  }
0x82: {  	v2 =	vadd.f32 v3, v2;
	v1 =	vmul.f32 v1, v1;
	_ =	sdelay $0x1  }
0x83: {  	v1 =	vadd.f32 v1, v2;
	_ =	sdelay $0x1  }
0x84: {  	v2 =	vshrl.u32 v1, $0x1  }
0x85: {  	v2 =	vadd.s32 $0x1FBD1DF5, v2  }
0x86: {  	(erf) = vrcp.f32 v2;
	_ =	sdelay $0x8  }
0x87: {  	v3 =	vpop (erf)  }
0x88: {  	v3 =	vmul.f32 v3, v1;
	_ =	sdelay $0x1  }
0x89: {  	v2 =	vadd.f32 v2, v3;
	_ =	sdelay $0x1  }
0x8a: {  	v2 =	vmul.f32 $5.000000000e-01, v2;
	_ =	sdelay $0x1  }
0x8b: {  	(erf) = vrcp.f32 v2;
	_ =	sdelay $0x8  }
0x8c: {  	v3 =	vpop (erf)  }
0x8d: {  	v3 =	vmul.f32 v3, v1;
	_ =	sdelay $0x1  }
0x8e: {  	v2 =	vadd.f32 v3, v2;
	_ =	sdelay $0x1  }
0x8f: {  	v2 =	vmul.f32 $5.000000000e-01, v2;
	_ =	sdelay $0x1  }
0x90: {  	(erf) = vrcp.f32 v2;
	_ =	sdelay $0x8  }
0x91: {  	v3 =	vpop (erf)  }
0x92: {  	v3 =	vmul.f32 v3, v1;
	_ =	sdelay $0x1  }
0x93: {  	v2 =	vadd.f32 v3, v2;
	_ =	sdelay $0x1  }
0x94: {  	v2 =	vmul.f32 $5.000000000e-01, v2;
	_ =	sdelay $0x1  }
0x95: {  	(erf) = vrcp.f32 v2;
	_ =	sdelay $0x8  }
0x96: {  	v3 =	vpop (erf)  }
0x97: {  	v1 =	vmul.f32 v3, v1;
	_ =	sdelay $0x1  }
0x98: {  	v1 =	vadd.f32 v1, v2;
	_ =	sdelay $0x1  }
0x99: {  	v5 =	vmul.f32 $5.000000000e-01, v1;
	_ =	sdelay $0x1  }
0x9a: {  	v2 =	vmul.f32 v5, v5;
	v7 =	vadd.f32 $-1.333333370e+00, v5;
	v1 =	vadd.f32 $-8.000000000e+00, v5  }
0x9b: {  	v3 =	vadd.f32 $-2.666666750e+00, v5;
	v9 =	vadd.f32 $-4.000000000e+00, v5  }
0x9c: {  	v4 =	vadd.f32 $-5.333333490e+00, v5;
	v6 =	vadd.f32 $-6.666666510e+00, v5;
	v1 =	vmul.f32 v1, v1  }
0x9d: {  	v8 =	vadd.f32 $-9.333333010e+00, v5;
	v10 =	vadd.f32 $-1.066666700e+01, v5;
	v3 =	vmul.f32 v3, v3  }
0x9e: {  	v12 =	vadd.f32 $-1.333333300e+01, v5;
	v11 =	vmul.f32 v6, v6;
	v6 =	vadd.f32 $-1.200000000e+01, v5  }
0x9f: {  	v8 =	vmul.f32 v8, v8;
	v10 =	vmul.f32 v10, v10;
	v3 =	vsub.f32 $0.0e+00, v3  }
0xa0: {  	v12 =	vmul.f32 v12, v12;
	v1 =	vsub.f32 $0.0e+00, v1;
	v13 =	vmul.f32 v6, v6  }
.Ltmp0:
0xa1: {  	v6 =	vmul.f32 v3, v0;
	v3 =	vsub.f32 $0.0e+00, v8;
	v8 =	vsub.f32 $0.0e+00, v10;
	(pc) =	sbr.rel @p0 .LBB2_2-.Ltmp0, $4  }
0xa2: {  	v11 =	vsub.f32 $0.0e+00, v11;
	v10 =	vmul.f32 v1, v0;
	v1 =	vsub.f32 $0.0e+00, v13  }
0xa3: {  	v15 =	vadd.f32 $-1.466666700e+01, v5;
	v13 =	vmul.f32 v3, v0;
	v8 =	vmul.f32 v8, v0  }
0xa4: {  	v14 =	vsub.f32 $0.0e+00, v12;
	v3 =	vmul.f32 v9, v9;
	v9 =	vmul.f32 v11, v0  }
0xa5: {  	v12 =	vadd.f32 $-1.600000000e+01, v5;
	v11 =	vmul.f32 v15, v15;
	v13 =	vmul.f32 $1.442695020e+00, v13  }
0xa6: {  	v7 =	vmul.f32 v7, v7;
	v14 =	vmul.f32 v14, v0  }
0xa7: {  	v15 =	vadd.f32 $-1.733333400e+01, v5;
	v10 =	vmul.f32 $1.442695020e+00, v10;
	v9 =	vmul.f32 $1.442695020e+00, v9  }
0xa8: {  	v16 =	vadd.f32 $-1.866666600e+01, v5;
	v8 =	vmul.f32 $1.442695020e+00, v8;
	v4 =	vmul.f32 v4, v4  }
0xa9: {  	v37 =	vadd.f32 $-2.000000000e+01, v5;
	v6 =	vmul.f32 $1.442695020e+00, v6;
	v1 =	vmul.f32 v1, v0  }
0xaa: {  	v2 =	vsub.f32 $0.0e+00, v2;
	(erf) = vpow2.f32 v13;
	v36 =	vmul.f32 v12, v12  }
0xab: {  	v3 =	vsub.f32 $0.0e+00, v3;
	v32 =	vmul.f32 $1.442695020e+00, v14;
	v33 =	vmul.f32 v15, v15  }
0xac: {  	v35 =	vsub.f32 $0.0e+00, v11;
	v34 =	vmul.f32 v16, v16;
	(erf) = vpow2.f32 v10  }
0xad: {  	v4 =	vsub.f32 $0.0e+00, v4;
	v5 =	vmul.f32 v37, v37;
	v2 =	vmul.f32 v2, v0  }
0xae: {  	v43 =	vsub.f32 $0.0e+00, v7;
	v50 =	vmul.f32 v3, v0;
	v10 =	vmul.f32 v35, v0  }
0xaf: {  	(erf) = vpow2.f32 v32;
	v38 =	vsub.f32 $0.0e+00, v33;
	v4 =	vmul.f32 v4, v0  }
0xb0: {  	v42 =	vsub.f32 $0.0e+00, v34;
	v46 =	vmul.f32 v43, v0;
	(erf) = vpow2.f32 v9  }
0xb1: {  	v5 =	vsub.f32 $0.0e+00, v5;
	v39 =	vmul.f32 $1.442695020e+00, v10;
	v41 =	vmul.f32 v38, v0  }
0xb2: {  	v4 =	vmul.f32 $1.442695020e+00, v4;
	v12 =	vmul.f32 v42, v0  }
0xb3: {  	v5 =	vmul.f32 v5, v0;
	(erf) = vpow2.f32 v6  }
0xb4: {  	v11 =	vsub.f32 $0.0e+00, v36;
	v44 =	vmul.f32 $1.442695020e+00, v12;
	(erf) = vpow2.f32 v4  }
0xb5: {  	v45 =	vmul.f32 $1.442695020e+00, v5;
	(erf) = vpow2.f32 v8  }
0xb6: {  	v40 =	vmul.f32 v11, v0;
	(erf) = vpow2.f32 v44  }
0xb7: {  	v11 =	vmul.f32 $1.442695020e+00, v41;
	(erf) = vpow2.f32 v45  }
0xb8: {  	v10 =	vmul.f32 $1.442695020e+00, v40;
	v47 =	vpop (erf);
	(erf) = vpow2.f32 v39  }
0xb9: {  	v2 =	vmul.f32 $1.442695020e+00, v2;
	[tilespmem:s18+$0xFFFFFFF0] =	vst v47;
	v48 =	vpop (erf);
	(erf) = vpow2.f32 v11  }
0xba: {  	v5 =	vmul.f32 $1.442695020e+00, v46;
	[tilespmem:s18+$0xFFFFFFE0] =	vst v48;
	v49 =	vpop (erf);
	(erf) = vpow2.f32 v10  }
0xbb: {  	v1 =	vmul.f32 $1.442695020e+00, v1;
	[tilespmem:s18+$0x20] =	vst v49;
	v51 =	vpop (erf);
	(erf) = vpow2.f32 v2  }
0xbc: {  	v0 =	vmul.f32 $1.442695020e+00, v50;
	[tilespmem:s18+$0xFFFFFFD0] =	vst v51;
	v52 =	vpop (erf);
	(erf) = vpow2.f32 v5  }
0xbd: {  	[tilespmem:s18+$0xFFFFFFA0] =	vst v52;
	v53 =	vpop (erf);
	(erf) = vpow2.f32 v1  }
0xbe: {  	[tilespmem:s18+$0xFFFFFFC0] =	vst v53;
	v54 =	vpop (erf);
	(erf) = vpow2.f32 v0  }
0xbf: {  	[tilespmem:s18+$0x0] =	vst v54;
	v55 =	vpop (erf)  }
0xc0: {  	[tilespmem:s18+$0x60] =	vst v55;
	v56 =	vpop (erf)  }
0xc1: {  	[tilespmem:s18+$0x70] =	vst v56;
	v57 =	vpop (erf)  }
0xc2: {  	[tilespmem:s18+$0x30] =	vst v57;
	v58 =	vpop (erf)  }
0xc3: {  	[tilespmem:s18+$0x50] =	vst v58;
	v59 =	vpop (erf)  }
0xc4: {  	[tilespmem:s18+$0x40] =	vst v59;
	v60 =	vpop (erf)  }
0xc5: {  	[tilespmem:s18+$0xFFFFFF80] =	vst v60;
	v61 =	vpop (erf)  }
0xc6: {  	s17 =	sadd.s32 $0x1, s17;
	[tilespmem:s18+$0xFFFFFF90] =	vst v61;
	v62 =	vpop (erf)  }
0xc7: {  	p0 =	sne.s32 s17, s9;
	[tilespmem:s18+$0x10] =	vst v62;
	v63 =	vpop (erf)  }
.Ltmp1:
0xc8: {  	[tilespmem:s18+$0xFFFFFFB0] =	vst v63;
	(pc) =	sbr.rel @p0 .LBB2_1-.Ltmp1, $4  }
0xc9: {  	[hbm4b:s8+s1] =	stream.linear.scatter [tilespmem:s16], [sflag:$0x1], $0x8000, $0x38;
	[tilespmem:$0xB880] =	vst v63  }
0xca: {  	_ =	swait.ge [sflag:s12], $0x8000  }
0xcb: {  	[sflag:s12] =	ssyncset.done $0x0  }
0xcc: {  	[sflag:s12] =	ssyncadd.s32 $0xFFFF8000  }
0xcd: {  	_ =	sfence.sel $0x180000  }
0xce: {  	[bflag:$0x0] =	sbarrier.arrive $0xFFFF  }
0xcf: {  	p0 =	sne.s32 s2, $0x0;
	_ =	strace $0x90000047  }
0xd0: {  	s0 =	sadd.s32 @!p0 $0x100000, s0;
	[bflag:$0x2] =	sbarrier.arrive $0xFFFF  }
0xd1: {  	[sflag:s0] =	ssyncadd.tile.s32 @!p0 $0x1;
	_ =	shalt  }
.Lfunc_end2:
_tile_overlayer_lowered:
.L_overlay_start_2:
0xd2: {  	(tag) =	ssettag $0x2  }
0xd3: {  	s0 =	rddreg [dreg:$0x0];
	s2 =	stileid.u32  }
0xd4: {  	s1 =	rddreg [dreg:$0x1];
	p0 =	sne.s32 s2, $0x0  }
0xd5: {  	s3 =	rddreg [dreg:$0x2];
	[bflag:$0x3] =	sbarrier.arrive $0xFFFF;
	s2 =	simm.s32 @!p0 $0x1C01  }
0xd6: {  	[timem:s3], [sflag:s2] =	dma.local @!p0 [hbm:s0], s1  }
0xd7: {  	s0 =	simm.s32 @!p0 $0x1  }
0xd8: {  	_ =	swait.ge @!p0 [sflag:s0], s1  }
0xd9: {  	s1 =	ssub.s32 @!p0 $0x0, s1;
	[sflag:s0] =	ssyncset.done @!p0 $0x0  }
0xda: {  	[sflag:s0] =	ssyncadd.s32 @!p0 s1  }
0xdb: {  	[bflag:$0x3] =	sbarrier.arrive $0xFFFF  }
0xdc: {  	_ =	shalt  }

</sc_bundles>
